<compile_context>
chip_gen: v7x
topology: tpu7x:2x2x1
jax: 0.10.2.dev20260603
libtpu: 0.0.44.dev20260713+nightly
codegen_flags: <defaults>
</compile_context>

<pallas_src>
import functools
import math

import jax
import jax.numpy as jnp
from jax import lax
from jax.experimental import pallas as pl
from jax.experimental.pallas import tpu as pltpu
from jax.experimental.pallas import tpu_sc as plsc

D = 128
H = 4
C = 32
N_CELLS = 2000
N_GENES = 64
E_SPATIAL = 32000
E_GRN = 256

CB = 16
R = CB * N_GENES

NC = 2
NS = 16
NW = NC * NS
EPW = E_SPATIAL // NW
CHUNK = 128
NFULL = EPW // CHUNK
REM = EPW - NFULL * CHUNK
ACC_ROWS = 2048
OWN = ACC_ROWS // NS


def _sc_agg_body(x_hbm, src_hbm, dst_hbm, out_hbm,
                 rows_v, rows_rem_v, src_v, src_rem_v, dst_v, dst_rem_v,
                 zero_v, core_acc, sem):
    c = lax.axis_index("c")
    s = lax.axis_index("s")
    w = s * NC + c

    def _zr(i, _):
        for j in range(D // 16):
            zero_v[i, pl.ds(j * 16, 16)] = jnp.zeros((16,), jnp.float32)
        return 0
    lax.fori_loop(0, OWN, _zr, 0)

    pltpu.sync_copy(zero_v, core_acc.at[pl.ds(s * OWN, OWN)])
    plsc.subcore_barrier()

    base = w * EPW
    for j in range(NFULL):
        off = base + j * CHUNK
        pltpu.sync_copy(src_hbm.at[pl.ds(off, CHUNK)], src_v.at[0])
        pltpu.sync_copy(dst_hbm.at[pl.ds(off, CHUNK)], dst_v.at[0])
        pltpu.async_copy(x_hbm.at[src_v.at[0]], rows_v, sem).wait()
        pltpu.sync_copy(rows_v, core_acc.at[dst_v.at[0]], add=True)
    off = base + NFULL * CHUNK
    pltpu.sync_copy(src_hbm.at[pl.ds(off, REM)], src_rem_v.at[0])
    pltpu.sync_copy(dst_hbm.at[pl.ds(off, REM)], dst_rem_v.at[0])
    pltpu.async_copy(x_hbm.at[src_rem_v.at[0]], rows_rem_v, sem).wait()
    pltpu.sync_copy(rows_rem_v, core_acc.at[dst_rem_v.at[0]], add=True)

    plsc.subcore_barrier()
    pltpu.sync_copy(core_acc.at[pl.ds(s * OWN, OWN)], zero_v)
    pltpu.sync_copy(zero_v, out_hbm.at[c, pl.ds(s * OWN, OWN)])


def _sc_agg(high_emb, spatial_edge_index):
    mesh = plsc.VectorSubcoreMesh(core_axis_name="c", subcore_axis_name="s")
    k = functools.partial(
        pl.kernel,
        mesh=mesh,
        out_type=jax.ShapeDtypeStruct((NC, ACC_ROWS, D), jnp.float32),
        scratch_types=[
            pltpu.VMEM((CHUNK, D), jnp.float32),
            pltpu.VMEM((REM, D), jnp.float32),
            pltpu.VMEM((1, CHUNK), jnp.int32),
            pltpu.VMEM((1, REM), jnp.int32),
            pltpu.VMEM((1, CHUNK), jnp.int32),
            pltpu.VMEM((1, REM), jnp.int32),
            pltpu.VMEM((OWN, D), jnp.float32),
            pltpu.VMEM_SHARED((ACC_ROWS, D), jnp.float32),
            pltpu.SemaphoreType.DMA,
        ],
    )(_sc_agg_body)
    return k(high_emb, spatial_edge_index[0], spatial_edge_index[1])


def _layer_norm(x, g, b):
    m = jnp.mean(x, axis=-1, keepdims=True)
    v = jnp.mean((x - m) ** 2, axis=-1, keepdims=True)
    return (x - m) * lax.rsqrt(v + 1e-5) * g + b


def _gelu(x):
    return x * 0.5 * (1.0 + lax.erf(x * (2.0 ** -0.5)))


def _a_body(high_ref, agg_ref, grn_ref, w1_ref, b1_ref, w2_ref, b2_ref,
            eps_ref, g_ref, beta_ref, ho_ref, mt_ref):
    x = high_ref[...]
    agg = agg_ref[0, :N_CELLS, :] + agg_ref[1, :N_CELLS, :]
    h = (1.0 + eps_ref[0, 0]) * x + agg
    h = _gelu(jnp.dot(h, w1_ref[...], preferred_element_type=jnp.float32) + b1_ref[...])
    h = jnp.dot(h, w2_ref[...], preferred_element_type=jnp.float32) + b2_ref[...]
    ho_ref[...] = _layer_norm(h, g_ref[...], beta_ref[...])

    src = grn_ref[0:1, :]
    dst = grn_ref[1:2, :]
    gi = lax.broadcasted_iota(jnp.int32, (N_GENES, E_GRN), 0)
    dst_oh = (gi == dst).astype(jnp.float32)
    src_oh = (gi == src).astype(jnp.float32)
    m = lax.dot_general(dst_oh, src_oh, (((1,), (1,)), ((), ())),
                        preferred_element_type=jnp.float32)
    mrep = jnp.concatenate([jnp.concatenate([m] * CB, axis=1)] * CB, axis=0)
    rc = lax.broadcasted_iota(jnp.int32, (R, R), 0) // N_GENES
    cc = lax.broadcasted_iota(jnp.int32, (R, R), 1) // N_GENES
    mt = jnp.where(rc == cc, mrep, 0.0)
    mt_ref[...] = jnp.where(mt > 0.0, jnp.log(jnp.maximum(mt, 1e-30)), -1e30)


def _b_body(low_ref, he_ref, ho_ref, mt_ref, wqkvs_ref, bqkvs_ref,
            tcg_ref, tcb_ref, aggw_ref, aggb_ref,
            h2lwq_ref, h2lbq_ref, h2lwkv_ref, h2lbkv_ref,
            l2hwq_ref, l2hbq_ref, l2hwkv_ref, l2hbkv_ref,
            nhg_ref, nhb_ref, nlg_ref, nlb_ref,
            hn_ref, ln_ref):
    x = low_ref[...].reshape(R, D)
    qkvs = jnp.dot(x.astype(jnp.bfloat16), wqkvs_ref[...],
                   preferred_element_type=jnp.float32) + bqkvs_ref[...]
    q = qkvs[:, 0:D]
    k = qkvs[:, D:2 * D]
    v = qkvs[:, 2 * D:3 * D]
    skip = qkvs[:, 3 * D:4 * D]
    mt = mt_ref[...]

    lane_head = lax.broadcasted_iota(jnp.int32, (R, D), 1) // C
    od_sum = None
    for h in range(H):
        qh = q[:, h * C:(h + 1) * C].astype(jnp.bfloat16)
        kh = k[:, h * C:(h + 1) * C].astype(jnp.bfloat16)
        maskc = jnp.where(lane_head == h, 1.0, 0.0)
        rhs = jnp.concatenate([v * maskc, maskc], axis=1)
        logit = lax.dot_general(qh, kh, (((1,), (1,)), ((), ())),
                                preferred_element_type=jnp.float32)
        ex = jnp.exp(logit + mt)
        od = jnp.dot(ex, rhs, preferred_element_type=jnp.float32)
        od_sum = od if od_sum is None else od_sum + od
    denw = od_sum[:, D:2 * D]
    attn = od_sum[:, 0:D] / jnp.where(denw > 0.0, denw, 1.0) + skip
    low_out = _layer_norm(attn, tcg_ref[...], tcb_ref[...])

    ii = lax.broadcasted_iota(jnp.int32, (CB, R), 0)
    jj = lax.broadcasted_iota(jnp.int32, (CB, R), 1)
    pool = jnp.where(jj // N_GENES == ii, 1.0 / N_GENES, 0.0).astype(jnp.bfloat16)
    gmean = jnp.dot(pool, low_out.astype(jnp.bfloat16),
                    preferred_element_type=jnp.float32)
    gene = _gelu(jnp.dot(gmean, aggw_ref[...], preferred_element_type=jnp.float32) + aggb_ref[...])

    ho = ho_ref[0]
    he = he_ref[0]
    dscale = 1.0 / math.sqrt(float(D))
    qh2l = jnp.dot(ho, h2lwq_ref[...], preferred_element_type=jnp.float32) + h2lbq_ref[...]
    kvh = jnp.dot(gene, h2lwkv_ref[...], preferred_element_type=jnp.float32) + h2lbkv_ref[...]
    ah = jax.nn.sigmoid(jnp.sum(qh2l * kvh[:, 0:D], axis=1, keepdims=True) * dscale)
    high_cross = ah * kvh[:, D:2 * D]

    ql2h = jnp.dot(gene, l2hwq_ref[...], preferred_element_type=jnp.float32) + l2hbq_ref[...]
    kvl = jnp.dot(ho, l2hwkv_ref[...], preferred_element_type=jnp.float32) + l2hbkv_ref[...]
    al = jax.nn.sigmoid(jnp.sum(ql2h * kvl[:, 0:D], axis=1, keepdims=True) * dscale)
    low_cross = al * kvl[:, D:2 * D]

    hn_ref[...] = _layer_norm(he + ho + high_cross, nhg_ref[...], nhb_ref[...]).reshape(1, CB, D)

    ri = lax.broadcasted_iota(jnp.int32, (R, CB), 0)
    rj = lax.broadcasted_iota(jnp.int32, (R, CB), 1)
    expand = jnp.where(ri // N_GENES == rj, 1.0, 0.0).astype(jnp.bfloat16)
    z = x + low_out + jnp.dot(expand, low_cross.astype(jnp.bfloat16),
                              preferred_element_type=jnp.float32)
    ln_ref[...] = _layer_norm(z, nlg_ref[...], nlb_ref[...]).reshape(CB, N_GENES, D)


def _full(shape):
    return pl.BlockSpec(shape, lambda i: tuple(0 for _ in shape))


_A_KWARGS = dict(
    grid=(1,),
    in_specs=[
        pl.BlockSpec((N_CELLS, D), lambda i: (0, 0)),
        pl.BlockSpec((NC, ACC_ROWS, D), lambda i: (0, 0, 0)),
        pl.BlockSpec((2, E_GRN), lambda i: (0, 0)),
        _full((D, 2 * D)), _full((1, 2 * D)),
        _full((2 * D, D)), _full((1, D)),
        _full((1, 1)), _full((1, D)), _full((1, D)),
    ],
    out_specs=[
        pl.BlockSpec((N_CELLS, D), lambda i: (0, 0)),
        pl.BlockSpec((R, R), lambda i: (0, 0)),
    ],
    out_shape=[
        jax.ShapeDtypeStruct((N_CELLS, D), jnp.float32),
        jax.ShapeDtypeStruct((R, R), jnp.float32),
    ],
)

_B_KWARGS = dict(
    grid=(N_CELLS // CB,),
    in_specs=[
        pl.BlockSpec((CB, N_GENES, D), lambda i: (i, 0, 0)),
        pl.BlockSpec((1, CB, D), lambda i: (i, 0, 0)),
        pl.BlockSpec((1, CB, D), lambda i: (i, 0, 0)),
        _full((R, R)),
        _full((D, 4 * D)), _full((1, 4 * D)),
        _full((1, D)), _full((1, D)),
        _full((D, D)), _full((1, D)),
        _full((D, D)), _full((1, D)),
        _full((D, 2 * D)), _full((1, 2 * D)),
        _full((D, D)), _full((1, D)),
        _full((D, 2 * D)), _full((1, 2 * D)),
        _full((1, D)), _full((1, D)), _full((1, D)), _full((1, D)),
    ],
    out_specs=[
        pl.BlockSpec((1, CB, D), lambda i: (i, 0, 0)),
        pl.BlockSpec((CB, N_GENES, D), lambda i: (i, 0, 0)),
    ],
    out_shape=[
        jax.ShapeDtypeStruct((N_CELLS // CB, CB, D), jnp.float32),
        jax.ShapeDtypeStruct((N_CELLS, N_GENES, D), jnp.float32),
    ],
)


def _row(b):
    return b.reshape(1, -1)


def kernel(high_emb, low_emb, spatial_edge_index, grn_edge_index, params):
    p = params
    agg_parts = _sc_agg(high_emb, spatial_edge_index.astype(jnp.int32))

    high_out, mtile = pl.pallas_call(_a_body, **_A_KWARGS)(
        high_emb, agg_parts, grn_edge_index.astype(jnp.int32),
        p["gin_W1"], _row(p["gin_b1"]), p["gin_W2"], _row(p["gin_b2"]),
        p["gin_eps"].reshape(1, 1), _row(p["gin_ln_g"]), _row(p["gin_ln_b"]),
    )

    s = 1.0 / math.sqrt(float(C))
    wqkvs = jnp.concatenate([p["tc_Wq"] * s, p["tc_Wk"], p["tc_Wv"], p["tc_Wskip"]],
                            axis=1).astype(jnp.bfloat16)
    bqkvs = jnp.concatenate([p["tc_bq"] * s, p["tc_bk"], p["tc_bv"], p["tc_bskip"]]).reshape(1, -1)
    h2lwkv = jnp.concatenate([p["h2l_Wk"], p["h2l_Wv"]], axis=1)
    h2lbkv = jnp.concatenate([p["h2l_bk"], p["h2l_bv"]]).reshape(1, -1)
    l2hwkv = jnp.concatenate([p["l2h_Wk"], p["l2h_Wv"]], axis=1)
    l2hbkv = jnp.concatenate([p["l2h_bk"], p["l2h_bv"]]).reshape(1, -1)

    high_new, low_new = pl.pallas_call(_b_body, **_B_KWARGS)(
        low_emb, high_emb.reshape(N_CELLS // CB, CB, D),
        high_out.reshape(N_CELLS // CB, CB, D), mtile,
        wqkvs, bqkvs, _row(p["tc_ln_g"]), _row(p["tc_ln_b"]),
        p["agg_W"], _row(p["agg_b"]),
        p["h2l_Wq"], _row(p["h2l_bq"]), h2lwkv, h2lbkv,
        p["l2h_Wq"], _row(p["l2h_bq"]), l2hwkv, l2hbkv,
        _row(p["nh_g"]), _row(p["nh_b"]), _row(p["nl_g"]), _row(p["nl_b"]),
    )
    return (high_new.reshape(N_CELLS, D), low_new)

# --- scband reference (transcript-rebuilt; emitter-appended) ---
"""Pipeline reference for scband-multi-level-graph-layer-full-85143431675974 (READ-ONLY COPY).

The authoritative reference and input builder live on the scoring server;
editing this copy changes nothing except your own understanding.
"""

import jax, jax.numpy as jnp
import numpy as np

D = 128
H = 4
C = D // H
N_CELLS = 2000
N_GENES = 64
E_SPATIAL = 32000
E_GRN = 256


def _layer_norm(x, g, b, eps=1e-5):
    m = jnp.mean(x, axis=-1, keepdims=True)
    v = jnp.mean((x - m) ** 2, axis=-1, keepdims=True)
    return (x - m) / jnp.sqrt(v + eps) * g + b


def _linear(x, W, b):
    return x @ W + b


def _init_params(key):
    specs = {
        "gin_W1": (D, 2 * D), "gin_W2": (2 * D, D),
        "tc_Wq": (D, D), "tc_Wk": (D, D), "tc_Wv": (D, D), "tc_Wskip": (D, D),
        "h2l_Wq": (D, D), "h2l_Wk": (D, D), "h2l_Wv": (D, D),
        "l2h_Wq": (D, D), "l2h_Wk": (D, D), "l2h_Wv": (D, D),
        "agg_W": (D, D),
    }
    p = {}
    for i, (name, shp) in enumerate(sorted(specs.items())):
        p[name] = jax.random.normal(jax.random.fold_in(key, i), shp, dtype=jnp.float32) * 0.02
    p["gin_b1"] = jnp.zeros((2 * D,), jnp.float32)
    p["gin_b2"] = jnp.zeros((D,), jnp.float32)
    for nm in ["tc_bq", "tc_bk", "tc_bv", "tc_bskip", "h2l_bq", "h2l_bk", "h2l_bv", "l2h_bq", "l2h_bk", "l2h_bv", "agg_b"]:
        p[nm] = jnp.zeros((D,), jnp.float32)
    p["gin_eps"] = jnp.zeros((), jnp.float32)
    for nm in ["gin_ln", "tc_ln", "nh", "nl"]:
        p[nm + "_g"] = jnp.ones((D,), jnp.float32)
        p[nm + "_b"] = jnp.zeros((D,), jnp.float32)
    return p


def _gin_conv(x, edge_index, p):
    src, dst = edge_index[0], edge_index[1]
    agg = jnp.zeros_like(x).at[dst].add(x[src])
    h = (1.0 + p["gin_eps"]) * x + agg
    h = jax.nn.gelu(_linear(h, p["gin_W1"], p["gin_b1"]), approximate=False)
    h = _linear(h, p["gin_W2"], p["gin_b2"])
    return _layer_norm(h, p["gin_ln_g"], p["gin_ln_b"])


def _transformer_conv(x, edge_index, p):
    n = x.shape[0]
    src, dst = edge_index[0], edge_index[1]
    q = _linear(x, p["tc_Wq"], p["tc_bq"]).reshape(n, H, C)
    k = _linear(x, p["tc_Wk"], p["tc_bk"]).reshape(n, H, C)
    v = _linear(x, p["tc_Wv"], p["tc_bv"]).reshape(n, H, C)
    alpha = (q[dst] * k[src]).sum(-1) / jnp.sqrt(float(C))
    amax = jax.ops.segment_max(alpha, dst, num_segments=n)
    ex = jnp.exp(alpha - amax[dst])
    den = jax.ops.segment_sum(ex, dst, num_segments=n)
    attn = ex / den[dst]
    msg = attn[:, :, None] * v[src]
    out = jnp.zeros((n, H, C), dtype=x.dtype).at[dst].add(msg)
    out = out.reshape(n, H * C) + _linear(x, p["tc_Wskip"], p["tc_bskip"])
    return _layer_norm(out, p["tc_ln_g"], p["tc_ln_b"])


def _cross(high, low, p):
    scale = D ** (-0.5)
    q_h2l = _linear(high, p["h2l_Wq"], p["h2l_bq"])
    k_h2l = _linear(low, p["h2l_Wk"], p["h2l_bk"])
    v_h2l = _linear(low, p["h2l_Wv"], p["h2l_bv"])
    a_h2l = jax.nn.sigmoid((q_h2l * k_h2l).sum(-1, keepdims=True) * scale)
    high_up = a_h2l * v_h2l
    q_l2h = _linear(low, p["l2h_Wq"], p["l2h_bq"])
    k_l2h = _linear(high, p["l2h_Wk"], p["l2h_bk"])
    v_l2h = _linear(high, p["l2h_Wv"], p["l2h_bv"])
    a_l2h = jax.nn.sigmoid((q_l2h * k_l2h).sum(-1, keepdims=True) * scale)
    low_up = a_l2h * v_l2h
    return high_up, low_up


def _batch_grn(grn_edge_index, n_cells):
    offsets = (jnp.arange(n_cells, dtype=grn_edge_index.dtype) * N_GENES)[:, None, None]
    b = grn_edge_index[None, :, :] + offsets
    return jnp.transpose(b, (1, 0, 2)).reshape(2, -1)


def _forward(high_emb, low_emb, spatial_edge_index, grn_edge_index, p):
    n_cells = high_emb.shape[0]
    high_out = _gin_conv(high_emb, spatial_edge_index, p)
    low_flat = low_emb.reshape(-1, D)
    grn_batch = _batch_grn(grn_edge_index, n_cells)
    low_out = _transformer_conv(low_flat, grn_batch, p).reshape(n_cells, N_GENES, D)
    gene_agg = jax.nn.gelu(_linear(low_out.mean(axis=1), p["agg_W"], p["agg_b"]), approximate=False)
    high_cross, low_cross = _cross(high_out, gene_agg, p)
    high_new = _layer_norm(high_emb + high_out + high_cross, p["nh_g"], p["nh_b"])
    low_new = _layer_norm(low_emb + low_out + low_cross[:, None, :], p["nl_g"], p["nl_b"])
    return (high_new, low_new)


def setup_inputs(seed: int = 0) -> dict:
    key = jax.random.key(seed)
    k1, k2, k3, k4, k5 = jax.random.split(key, 5)
    high_emb = jax.random.normal(k1, (N_CELLS, D), dtype=jnp.float32)
    low_emb = jax.random.normal(k2, (N_CELLS, N_GENES, D), dtype=jnp.float32)
    spatial_edge_index = jax.random.randint(k3, (2, E_SPATIAL), 0, N_CELLS, dtype=jnp.int64 if jax.config.jax_enable_x64 else jnp.int32)
    grn_edge_index = jax.random.randint(k4, (2, E_GRN), 0, N_GENES, dtype=jnp.int64 if jax.config.jax_enable_x64 else jnp.int32)
    params = _init_params(k5)
    return {"high_emb": high_emb, "low_emb": low_emb, "spatial_edge_index": spatial_edge_index, "grn_edge_index": grn_edge_index, "params": params}


def reference(high_emb, low_emb, spatial_edge_index, grn_edge_index, params):
    return _forward(high_emb, low_emb, spatial_edge_index, grn_edge_index, params)

if __name__ == "__main__":
    import jax
    _d = setup_inputs()
    print(jax.jit(kernel)(*tuple(_d.values())))

</pallas_src>

<mosaic_0001>
#map = affine_map<(d0, d1) -> (0, 0)>
#map1 = affine_map<(d0, d1) -> (0)>
#map2 = affine_map<(d0, d1) -> (0, 0, 0)>
module attributes {stable_mosaic.version = 14 : i64} {
  func.func @_sc_agg_body(%arg0: i32, %arg1: i32, %arg2: memref<2000x128xf32, #tpu.memory_space<hbm>>, %arg3: memref<32000xi32, #tpu.memory_space<hbm>>, %arg4: memref<32000xi32, #tpu.memory_space<hbm>>, %arg5: memref<2x2048x128xf32, #tpu.memory_space<hbm>>, %arg6: memref<128x128xf32, #tpu.memory_space<vmem>>, %arg7: memref<104x128xf32, #tpu.memory_space<vmem>>, %arg8: memref<1x128xi32, #tpu.memory_space<vmem>>, %arg9: memref<1x104xi32, #tpu.memory_space<vmem>>, %arg10: memref<1x128xi32, #tpu.memory_space<vmem>>, %arg11: memref<1x104xi32, #tpu.memory_space<vmem>>, %arg12: memref<128x128xf32, #tpu.memory_space<vmem>>, %arg13: memref<2048x128xf32, #tpu.memory_space<vmem_shared>>, %arg14: memref<!tpu.dma_semaphore, #tpu.memory_space<semaphore_mem>>) attributes {dimension_semantics = [#tpu.dimension_semantics<core_parallel>, #tpu.dimension_semantics<subcore_parallel>], iteration_bounds = array<i64: 2, 16>, scalar_prefetch = 0 : i64, scratch_operands = 9 : i64, tpu.core_type = #tpu.core_type<sc_vector_subcore>, window_params = [{transform_indices = #map}, {transform_indices = #map1}, {transform_indices = #map1}, {transform_indices = #map2}]} {
    %mul3A = arith.constant 2 : i32
    %mul3A_0 = arith.muli %arg1, %mul3A : i32
    %add3A = arith.addi %mul3A_0, %arg0 : i32
    %scan3A = arith.constant 0 : i32
    %scan3A_1 = arith.constant 0 : i32
    %scan3A_2 = arith.constant 128 : i32
    %scan3A_3 = arith.addi %scan3A_1, %scan3A_2 : i32
    %scan3A_4 = arith.constant 1 : i32
    %scan3A_5 = scf.for %scan3A_165 = %scan3A_1 to %scan3A_3 step %scan3A_4 iter_args(%scan3A_166 = %scan3A) -> (i32)  : i32 {
      %broadcast_in_dim3A = arith.constant 0.000000e+00 : f32
      %broadcast_in_dim3A_167 = vector.broadcast %broadcast_in_dim3A : f32 to vector<16xf32>
      %swap3A = arith.index_cast %scan3A_165 : i32 to index
      %swap3A_168 = arith.constant 0 : index
      %swap3A_169 = tpu.vector_load %arg12[%swap3A, %swap3A_168] {strides = array<i32>} : memref<128x128xf32, #tpu.memory_space<vmem>>, vector<1x16xf32>,
      %swap3A_170 = vector.shape_cast %swap3A_169 : vector<1x16xf32> to vector<16xf32>
      %swap3A_171 = vector.shape_cast %broadcast_in_dim3A_167 : vector<16xf32> to vector<1x16xf32>
      tpu.vector_store %arg12[%swap3A, %swap3A_168], %swap3A_171 {strides = array<i32>} : memref<128x128xf32, #tpu.memory_space<vmem>>, vector<1x16xf32>,
      %broadcast_in_dim3A_172 = arith.constant 0.000000e+00 : f32
      %broadcast_in_dim3A_173 = vector.broadcast %broadcast_in_dim3A_172 : f32 to vector<16xf32>
      %swap3A_174 = arith.index_cast %scan3A_165 : i32 to index
      %swap3A_175 = arith.constant 16 : index
      %swap3A_176 = tpu.vector_load %arg12[%swap3A_174, %swap3A_175] {strides = array<i32>} : memref<128x128xf32, #tpu.memory_space<vmem>>, vector<1x16xf32>,
      %swap3A_177 = vector.shape_cast %swap3A_176 : vector<1x16xf32> to vector<16xf32>
      %swap3A_178 = vector.shape_cast %broadcast_in_dim3A_173 : vector<16xf32> to vector<1x16xf32>
      tpu.vector_store %arg12[%swap3A_174, %swap3A_175], %swap3A_178 {strides = array<i32>} : memref<128x128xf32, #tpu.memory_space<vmem>>, vector<1x16xf32>,
      %broadcast_in_dim3A_179 = arith.constant 0.000000e+00 : f32
      %broadcast_in_dim3A_180 = vector.broadcast %broadcast_in_dim3A_179 : f32 to vector<16xf32>
      %swap3A_181 = arith.index_cast %scan3A_165 : i32 to index
      %swap3A_182 = arith.constant 32 : index
      %swap3A_183 = tpu.vector_load %arg12[%swap3A_181, %swap3A_182] {strides = array<i32>} : memref<128x128xf32, #tpu.memory_space<vmem>>, vector<1x16xf32>,
      %swap3A_184 = vector.shape_cast %swap3A_183 : vector<1x16xf32> to vector<16xf32>
      %swap3A_185 = vector.shape_cast %broadcast_in_dim3A_180 : vector<16xf32> to vector<1x16xf32>
      tpu.vector_store %arg12[%swap3A_181, %swap3A_182], %swap3A_185 {strides = array<i32>} : memref<128x128xf32, #tpu.memory_space<vmem>>, vector<1x16xf32>,
      %broadcast_in_dim3A_186 = arith.constant 0.000000e+00 : f32
      %broadcast_in_dim3A_187 = vector.broadcast %broadcast_in_dim3A_186 : f32 to vector<16xf32>
      %swap3A_188 = arith.index_cast %scan3A_165 : i32 to index
      %swap3A_189 = arith.constant 48 : index
      %swap3A_190 = tpu.vector_load %arg12[%swap3A_188, %swap3A_189] {strides = array<i32>} : memref<128x128xf32, #tpu.memory_space<vmem>>, vector<1x16xf32>,
      %swap3A_191 = vector.shape_cast %swap3A_190 : vector<1x16xf32> to vector<16xf32>
      %swap3A_192 = vector.shape_cast %broadcast_in_dim3A_187 : vector<16xf32> to vector<1x16xf32>
      tpu.vector_store %arg12[%swap3A_188, %swap3A_189], %swap3A_192 {strides = array<i32>} : memref<128x128xf32, #tpu.memory_space<vmem>>, vector<1x16xf32>,
      %broadcast_in_dim3A_193 = arith.constant 0.000000e+00 : f32
      %broadcast_in_dim3A_194 = vector.broadcast %broadcast_in_dim3A_193 : f32 to vector<16xf32>
      %swap3A_195 = arith.index_cast %scan3A_165 : i32 to index
      %swap3A_196 = arith.constant 64 : index
      %swap3A_197 = tpu.vector_load %arg12[%swap3A_195, %swap3A_196] {strides = array<i32>} : memref<128x128xf32, #tpu.memory_space<vmem>>, vector<1x16xf32>,
      %swap3A_198 = vector.shape_cast %swap3A_197 : vector<1x16xf32> to vector<16xf32>
      %swap3A_199 = vector.shape_cast %broadcast_in_dim3A_194 : vector<16xf32> to vector<1x16xf32>
      tpu.vector_store %arg12[%swap3A_195, %swap3A_196], %swap3A_199 {strides = array<i32>} : memref<128x128xf32, #tpu.memory_space<vmem>>, vector<1x16xf32>,
      %broadcast_in_dim3A_200 = arith.constant 0.000000e+00 : f32
      %broadcast_in_dim3A_201 = vector.broadcast %broadcast_in_dim3A_200 : f32 to vector<16xf32>
      %swap3A_202 = arith.index_cast %scan3A_165 : i32 to index
      %swap3A_203 = arith.constant 80 : index
      %swap3A_204 = tpu.vector_load %arg12[%swap3A_202, %swap3A_203] {strides = array<i32>} : memref<128x128xf32, #tpu.memory_space<vmem>>, vector<1x16xf32>,
      %swap3A_205 = vector.shape_cast %swap3A_204 : vector<1x16xf32> to vector<16xf32>
      %swap3A_206 = vector.shape_cast %broadcast_in_dim3A_201 : vector<16xf32> to vector<1x16xf32>
      tpu.vector_store %arg12[%swap3A_202, %swap3A_203], %swap3A_206 {strides = array<i32>} : memref<128x128xf32, #tpu.memory_space<vmem>>, vector<1x16xf32>,
      %broadcast_in_dim3A_207 = arith.constant 0.000000e+00 : f32
      %broadcast_in_dim3A_208 = vector.broadcast %broadcast_in_dim3A_207 : f32 to vector<16xf32>
      %swap3A_209 = arith.index_cast %scan3A_165 : i32 to index
      %swap3A_210 = arith.constant 96 : index
      %swap3A_211 = tpu.vector_load %arg12[%swap3A_209, %swap3A_210] {strides = array<i32>} : memref<128x128xf32, #tpu.memory_space<vmem>>, vector<1x16xf32>,
      %swap3A_212 = vector.shape_cast %swap3A_211 : vector<1x16xf32> to vector<16xf32>
      %swap3A_213 = vector.shape_cast %broadcast_in_dim3A_208 : vector<16xf32> to vector<1x16xf32>
      tpu.vector_store %arg12[%swap3A_209, %swap3A_210], %swap3A_213 {strides = array<i32>} : memref<128x128xf32, #tpu.memory_space<vmem>>, vector<1x16xf32>,
      %broadcast_in_dim3A_214 = arith.constant 0.000000e+00 : f32
      %broadcast_in_dim3A_215 = vector.broadcast %broadcast_in_dim3A_214 : f32 to vector<16xf32>
      %swap3A_216 = arith.index_cast %scan3A_165 : i32 to index
      %swap3A_217 = arith.constant 112 : index
      %swap3A_218 = tpu.vector_load %arg12[%swap3A_216, %swap3A_217] {strides = array<i32>} : memref<128x128xf32, #tpu.memory_space<vmem>>, vector<1x16xf32>,
      %swap3A_219 = vector.shape_cast %swap3A_218 : vector<1x16xf32> to vector<16xf32>
      %swap3A_220 = vector.shape_cast %broadcast_in_dim3A_215 : vector<16xf32> to vector<1x16xf32>
      tpu.vector_store %arg12[%swap3A_216, %swap3A_217], %swap3A_220 {strides = array<i32>} : memref<128x128xf32, #tpu.memory_space<vmem>>, vector<1x16xf32>,
      %scan3A_221 = arith.constant 0 : i32
      scf.yield %scan3A_221 : i32
    }
    %scan3A_6 = arith.constant 128 : i32
    %mul3A_7 = arith.constant 128 : i32
    %mul3A_8 = arith.muli %arg1, %mul3A_7 : i32
    "tpu.region"() ({
      %run_scoped3A_165 = tpu.sem_alloc : memref<!tpu.dma_semaphore, #tpu.memory_space<semaphore_mem>>
      %dma_start3A_166 = arith.constant 0 : i32
      %dma_start3A_167 = tpu.memref_slice %arg13[%mul3A_8, %dma_start3A_166] : memref<2048x128xf32, #tpu.memory_space<vmem_shared>> -> memref<128x128xf32, #tpu.memory_space<vmem_shared>>
      %dma_start3A_168 = arith.constant 0 : i32
      %dma_start3A_169 = tpu.memref_slice %arg13[%mul3A_8, %dma_start3A_168] : memref<2048x128xf32, #tpu.memory_space<vmem_shared>> -> memref<128x128xf32, #tpu.memory_space<vmem_shared>>
      tpu.enqueue_dma source(%arg12 : memref<128x128xf32, #tpu.memory_space<vmem>>) target(%dma_start3A_169 : memref<128x128xf32, #tpu.memory_space<vmem_shared>>) target_semaphore(%run_scoped3A_165 : memref<!tpu.dma_semaphore, #tpu.memory_space<semaphore_mem>>)
      %dma_wait3A_170 = arith.constant 0 : i32
      %dma_wait3A_171 = tpu.memref_slice %arg13[%mul3A_8, %dma_wait3A_170] : memref<2048x128xf32, #tpu.memory_space<vmem_shared>> -> memref<128x128xf32, #tpu.memory_space<vmem_shared>>
      %dma_wait3A_172 = arith.constant 0 : i32
      %dma_wait3A_173 = tpu.memref_slice %arg13[%mul3A_8, %dma_wait3A_172] : memref<2048x128xf32, #tpu.memory_space<vmem_shared>> -> memref<128x128xf32, #tpu.memory_space<vmem_shared>>
      tpu.wait_dma2 semaphore(%run_scoped3A_165 : memref<!tpu.dma_semaphore, #tpu.memory_space<semaphore_mem>>) src(%arg12 : memref<128x128xf32, #tpu.memory_space<vmem>>) dst(%dma_wait3A_173 : memref<128x128xf32, #tpu.memory_space<vmem_shared>>)
      tpu.yield
    }) : () -> ()
    %barrier3A = arith.constant 0 : index
    tpu.barrier barrier_id(%barrier3A)
    %mul3A_9 = arith.constant 1000 : i32
    %mul3A_10 = arith.muli %add3A, %mul3A_9 : i32
    %add3A_11 = arith.constant 0 : i32
    %add3A_12 = arith.addi %mul3A_10, %add3A_11 : i32
    %run_scoped3A = arith.constant 0 : i32
    "tpu.region"() ({
      %run_scoped3A_165 = tpu.sem_alloc : memref<!tpu.dma_semaphore, #tpu.memory_space<semaphore_mem>>
      %dma_start3A_166 = arith.constant 0 : i32
      %dma_start3A_167 = tpu.memref_slice %arg8[%run_scoped3A, %dma_start3A_166] : memref<1x128xi32, #tpu.memory_space<vmem>> -> memref<1x128xi32, #tpu.memory_space<vmem>>
      %dma_start3A_168 = tpu.memref_squeeze %dma_start3A_167 : memref<1x128xi32, #tpu.memory_space<vmem>> -> memref<128xi32, #tpu.memory_space<vmem>>
      %dma_start3A_169 = tpu.memref_slice %arg3[%add3A_12] : memref<32000xi32, #tpu.memory_space<hbm>> -> memref<128xi32, #tpu.memory_space<hbm>>
      %dma_start3A_170 = arith.constant 0 : i32
      %dma_start3A_171 = tpu.memref_slice %arg8[%run_scoped3A, %dma_start3A_170] : memref<1x128xi32, #tpu.memory_space<vmem>> -> memref<1x128xi32, #tpu.memory_space<vmem>>
      %dma_start3A_172 = tpu.memref_squeeze %dma_start3A_171 : memref<1x128xi32, #tpu.memory_space<vmem>> -> memref<128xi32, #tpu.memory_space<vmem>>
      %dma_start3A_173 = tpu.memref_slice %arg3[%add3A_12] : memref<32000xi32, #tpu.memory_space<hbm>> -> memref<128xi32, #tpu.memory_space<hbm>>
      tpu.enqueue_dma source(%dma_start3A_173 : memref<128xi32, #tpu.memory_space<hbm>>) target(%dma_start3A_172 : memref<128xi32, #tpu.memory_space<vmem>>) target_semaphore(%run_scoped3A_165 : memref<!tpu.dma_semaphore, #tpu.memory_space<semaphore_mem>>)
      %dma_wait3A_174 = arith.constant 0 : i32
      %dma_wait3A_175 = tpu.memref_slice %arg8[%run_scoped3A, %dma_wait3A_174] : memref<1x128xi32, #tpu.memory_space<vmem>> -> memref<1x128xi32, #tpu.memory_space<vmem>>
      %dma_wait3A_176 = tpu.memref_squeeze %dma_wait3A_175 : memref<1x128xi32, #tpu.memory_space<vmem>> -> memref<128xi32, #tpu.memory_space<vmem>>
      %dma_wait3A_177 = tpu.memref_slice %arg3[%add3A_12] : memref<32000xi32, #tpu.memory_space<hbm>> -> memref<128xi32, #tpu.memory_space<hbm>>
      %dma_wait3A_178 = arith.constant 0 : i32
      %dma_wait3A_179 = tpu.memref_slice %arg8[%run_scoped3A, %dma_wait3A_178] : memref<1x128xi32, #tpu.memory_space<vmem>> -> memref<1x128xi32, #tpu.memory_space<vmem>>
      %dma_wait3A_180 = tpu.memref_squeeze %dma_wait3A_179 : memref<1x128xi32, #tpu.memory_space<vmem>> -> memref<128xi32, #tpu.memory_space<vmem>>
      %dma_wait3A_181 = tpu.memref_slice %arg3[%add3A_12] : memref<32000xi32, #tpu.memory_space<hbm>> -> memref<128xi32, #tpu.memory_space<hbm>>
      tpu.wait_dma2 semaphore(%run_scoped3A_165 : memref<!tpu.dma_semaphore, #tpu.memory_space<semaphore_mem>>) src(%dma_wait3A_181 : memref<128xi32, #tpu.memory_space<hbm>>) dst(%dma_wait3A_180 : memref<128xi32, #tpu.memory_space<vmem>>)
      tpu.yield
    }) : () -> ()
    %run_scoped3A_13 = arith.constant 0 : i32
    "tpu.region"() ({
      %run_scoped3A_165 = tpu.sem_alloc : memref<!tpu.dma_semaphore, #tpu.memory_space<semaphore_mem>>
      %dma_start3A_166 = arith.constant 0 : i32
      %dma_start3A_167 = tpu.memref_slice %arg10[%run_scoped3A_13, %dma_start3A_166] : memref<1x128xi32, #tpu.memory_space<vmem>> -> memref<1x128xi32, #tpu.memory_space<vmem>>
      %dma_start3A_168 = tpu.memref_squeeze %dma_start3A_167 : memref<1x128xi32, #tpu.memory_space<vmem>> -> memref<128xi32, #tpu.memory_space<vmem>>
      %dma_start3A_169 = tpu.memref_slice %arg4[%add3A_12] : memref<32000xi32, #tpu.memory_space<hbm>> -> memref<128xi32, #tpu.memory_space<hbm>>
      %dma_start3A_170 = arith.constant 0 : i32
      %dma_start3A_171 = tpu.memref_slice %arg10[%run_scoped3A_13, %dma_start3A_170] : memref<1x128xi32, #tpu.memory_space<vmem>> -> memref<1x128xi32, #tpu.memory_space<vmem>>
      %dma_start3A_172 = tpu.memref_squeeze %dma_start3A_171 : memref<1x128xi32, #tpu.memory_space<vmem>> -> memref<128xi32, #tpu.memory_space<vmem>>
      %dma_start3A_173 = tpu.memref_slice %arg4[%add3A_12] : memref<32000xi32, #tpu.memory_space<hbm>> -> memref<128xi32, #tpu.memory_space<hbm>>
      tpu.enqueue_dma source(%dma_start3A_173 : memref<128xi32, #tpu.memory_space<hbm>>) target(%dma_start3A_172 : memref<128xi32, #tpu.memory_space<vmem>>) target_semaphore(%run_scoped3A_165 : memref<!tpu.dma_semaphore, #tpu.memory_space<semaphore_mem>>)
      %dma_wait3A_174 = arith.constant 0 : i32
      %dma_wait3A_175 = tpu.memref_slice %arg10[%run_scoped3A_13, %dma_wait3A_174] : memref<1x128xi32, #tpu.memory_space<vmem>> -> memref<1x128xi32, #tpu.memory_space<vmem>>
      %dma_wait3A_176 = tpu.memref_squeeze %dma_wait3A_175 : memref<1x128xi32, #tpu.memory_space<vmem>> -> memref<128xi32, #tpu.memory_space<vmem>>
      %dma_wait3A_177 = tpu.memref_slice %arg4[%add3A_12] : memref<32000xi32, #tpu.memory_space<hbm>> -> memref<128xi32, #tpu.memory_space<hbm>>
      %dma_wait3A_178 = arith.constant 0 : i32
      %dma_wait3A_179 = tpu.memref_slice %arg10[%run_scoped3A_13, %dma_wait3A_178] : memref<1x128xi32, #tpu.memory_space<vmem>> -> memref<1x128xi32, #tpu.memory_space<vmem>>
      %dma_wait3A_180 = tpu.memref_squeeze %dma_wait3A_179 : memref<1x128xi32, #tpu.memory_space<vmem>> -> memref<128xi32, #tpu.memory_space<vmem>>
      %dma_wait3A_181 = tpu.memref_slice %arg4[%add3A_12] : memref<32000xi32, #tpu.memory_space<hbm>> -> memref<128xi32, #tpu.memory_space<hbm>>
      tpu.wait_dma2 semaphore(%run_scoped3A_165 : memref<!tpu.dma_semaphore, #tpu.memory_space<semaphore_mem>>) src(%dma_wait3A_181 : memref<128xi32, #tpu.memory_space<hbm>>) dst(%dma_wait3A_180 : memref<128xi32, #tpu.memory_space<vmem>>)
      tpu.yield
    }) : () -> ()
    %dma_start3A = arith.constant 0 : i32
    %dma_start3A_14 = arith.constant 0 : i32
    %dma_start3A_15 = tpu.memref_slice %arg8[%dma_start3A, %dma_start3A_14] : memref<1x128xi32, #tpu.memory_space<vmem>> -> memref<1x128xi32, #tpu.memory_space<vmem>>
    %dma_start3A_16 = tpu.memref_squeeze %dma_start3A_15 : memref<1x128xi32, #tpu.memory_space<vmem>> -> memref<128xi32, #tpu.memory_space<vmem>>
    %dma_start3A_17 = arith.constant 0 : i32
    %dma_start3A_18 = arith.constant 0 : i32
    %dma_start3A_19 = tpu.memref_slice %arg2[%dma_start3A_17, %dma_start3A_18] : memref<2000x128xf32, #tpu.memory_space<hbm>> -> memref<2000x128xf32, #tpu.memory_space<hbm>>
    tpu.enqueue_indirect_dma source(%dma_start3A_19 : memref<2000x128xf32, #tpu.memory_space<hbm>>) target(%arg6 : memref<128x128xf32, #tpu.memory_space<vmem>>) offsets(%dma_start3A_16 : memref<128xi32, #tpu.memory_space<vmem>>) semaphore(%arg14 : memref<!tpu.dma_semaphore, #tpu.memory_space<semaphore_mem>>)
    %dma_wait3A = arith.constant 0 : i32
    %dma_wait3A_20 = arith.constant 0 : i32
    %dma_wait3A_21 = tpu.memref_slice %arg8[%dma_wait3A, %dma_wait3A_20] : memref<1x128xi32, #tpu.memory_space<vmem>> -> memref<1x128xi32, #tpu.memory_space<vmem>>
    %dma_wait3A_22 = tpu.memref_squeeze %dma_wait3A_21 : memref<1x128xi32, #tpu.memory_space<vmem>> -> memref<128xi32, #tpu.memory_space<vmem>>
    %dma_wait3A_23 = arith.constant 0 : i32
    %dma_wait3A_24 = arith.constant 0 : i32
    %dma_wait3A_25 = tpu.memref_slice %arg2[%dma_wait3A_23, %dma_wait3A_24] : memref<2000x128xf32, #tpu.memory_space<hbm>> -> memref<2000x128xf32, #tpu.memory_space<hbm>>
    tpu.wait_indirect_dma semaphore(%arg14 : memref<!tpu.dma_semaphore, #tpu.memory_space<semaphore_mem>>) src(%dma_wait3A_25 : memref<2000x128xf32, #tpu.memory_space<hbm>>) dst(%arg6 : memref<128x128xf32, #tpu.memory_space<vmem>>)
    %run_scoped3A_26 = arith.constant 0 : i32
    "tpu.region"() ({
      %run_scoped3A_165 = tpu.sem_alloc : memref<!tpu.dma_semaphore, #tpu.memory_space<semaphore_mem>>
      %dma_start3A_166 = arith.constant 0 : i32
      %dma_start3A_167 = tpu.memref_slice %arg10[%run_scoped3A_26, %dma_start3A_166] : memref<1x128xi32, #tpu.memory_space<vmem>> -> memref<1x128xi32, #tpu.memory_space<vmem>>
      %dma_start3A_168 = tpu.memref_squeeze %dma_start3A_167 : memref<1x128xi32, #tpu.memory_space<vmem>> -> memref<128xi32, #tpu.memory_space<vmem>>
      %dma_start3A_169 = arith.constant 0 : i32
      %dma_start3A_170 = arith.constant 0 : i32
      %dma_start3A_171 = tpu.memref_slice %arg13[%dma_start3A_169, %dma_start3A_170] : memref<2048x128xf32, #tpu.memory_space<vmem_shared>> -> memref<2048x128xf32, #tpu.memory_space<vmem_shared>>
      tpu.enqueue_indirect_dma source(%arg6 : memref<128x128xf32, #tpu.memory_space<vmem>>) target(%dma_start3A_171 : memref<2048x128xf32, #tpu.memory_space<vmem_shared>>) offsets(%dma_start3A_168 : memref<128xi32, #tpu.memory_space<vmem>>) semaphore(%run_scoped3A_165 : memref<!tpu.dma_semaphore, #tpu.memory_space<semaphore_mem>>) {add = true}
      %dma_wait3A_172 = arith.constant 0 : i32
      %dma_wait3A_173 = tpu.memref_slice %arg10[%run_scoped3A_26, %dma_wait3A_172] : memref<1x128xi32, #tpu.memory_space<vmem>> -> memref<1x128xi32, #tpu.memory_space<vmem>>
      %dma_wait3A_174 = tpu.memref_squeeze %dma_wait3A_173 : memref<1x128xi32, #tpu.memory_space<vmem>> -> memref<128xi32, #tpu.memory_space<vmem>>
      %dma_wait3A_175 = arith.constant 0 : i32
      %dma_wait3A_176 = arith.constant 0 : i32
      %dma_wait3A_177 = tpu.memref_slice %arg13[%dma_wait3A_175, %dma_wait3A_176] : memref<2048x128xf32, #tpu.memory_space<vmem_shared>> -> memref<2048x128xf32, #tpu.memory_space<vmem_shared>>
      tpu.wait_indirect_dma semaphore(%run_scoped3A_165 : memref<!tpu.dma_semaphore, #tpu.memory_space<semaphore_mem>>) src(%arg6 : memref<128x128xf32, #tpu.memory_space<vmem>>) dst(%dma_wait3A_177 : memref<2048x128xf32, #tpu.memory_space<vmem_shared>>)
      tpu.yield
    }) : () -> ()
    %add3A_27 = arith.constant 128 : i32
    %add3A_28 = arith.addi %mul3A_10, %add3A_27 : i32
    %run_scoped3A_29 = arith.constant 0 : i32
    "tpu.region"() ({
      %run_scoped3A_165 = tpu.sem_alloc : memref<!tpu.dma_semaphore, #tpu.memory_space<semaphore_mem>>
      %dma_start3A_166 = arith.constant 0 : i32
      %dma_start3A_167 = tpu.memref_slice %arg8[%run_scoped3A_29, %dma_start3A_166] : memref<1x128xi32, #tpu.memory_space<vmem>> -> memref<1x128xi32, #tpu.memory_space<vmem>>
      %dma_start3A_168 = tpu.memref_squeeze %dma_start3A_167 : memref<1x128xi32, #tpu.memory_space<vmem>> -> memref<128xi32, #tpu.memory_space<vmem>>
      %dma_start3A_169 = tpu.memref_slice %arg3[%add3A_28] : memref<32000xi32, #tpu.memory_space<hbm>> -> memref<128xi32, #tpu.memory_space<hbm>>
      %dma_start3A_170 = arith.constant 0 : i32
      %dma_start3A_171 = tpu.memref_slice %arg8[%run_scoped3A_29, %dma_start3A_170] : memref<1x128xi32, #tpu.memory_space<vmem>> -> memref<1x128xi32, #tpu.memory_space<vmem>>
      %dma_start3A_172 = tpu.memref_squeeze %dma_start3A_171 : memref<1x128xi32, #tpu.memory_space<vmem>> -> memref<128xi32, #tpu.memory_space<vmem>>
      %dma_start3A_173 = tpu.memref_slice %arg3[%add3A_28] : memref<32000xi32, #tpu.memory_space<hbm>> -> memref<128xi32, #tpu.memory_space<hbm>>
      tpu.enqueue_dma source(%dma_start3A_173 : memref<128xi32, #tpu.memory_space<hbm>>) target(%dma_start3A_172 : memref<128xi32, #tpu.memory_space<vmem>>) target_semaphore(%run_scoped3A_165 : memref<!tpu.dma_semaphore, #tpu.memory_space<semaphore_mem>>)
      %dma_wait3A_174 = arith.constant 0 : i32
      %dma_wait3A_175 = tpu.memref_slice %arg8[%run_scoped3A_29, %dma_wait3A_174] : memref<1x128xi32, #tpu.memory_space<vmem>> -> memref<1x128xi32, #tpu.memory_space<vmem>>
      %dma_wait3A_176 = tpu.memref_squeeze %dma_wait3A_175 : memref<1x128xi32, #tpu.memory_space<vmem>> -> memref<128xi32, #tpu.memory_space<vmem>>
      %dma_wait3A_177 = tpu.memref_slice %arg3[%add3A_28] : memref<32000xi32, #tpu.memory_space<hbm>> -> memref<128xi32, #tpu.memory_space<hbm>>
      %dma_wait3A_178 = arith.constant 0 : i32
      %dma_wait3A_179 = tpu.memref_slice %arg8[%run_scoped3A_29, %dma_wait3A_178] : memref<1x128xi32, #tpu.memory_space<vmem>> -> memref<1x128xi32, #tpu.memory_space<vmem>>
      %dma_wait3A_180 = tpu.memref_squeeze %dma_wait3A_179 : memref<1x128xi32, #tpu.memory_space<vmem>> -> memref<128xi32, #tpu.memory_space<vmem>>
      %dma_wait3A_181 = tpu.memref_slice %arg3[%add3A_28] : memref<32000xi32, #tpu.memory_space<hbm>> -> memref<128xi32, #tpu.memory_space<hbm>>
      tpu.wait_dma2 semaphore(%run_scoped3A_165 : memref<!tpu.dma_semaphore, #tpu.memory_space<semaphore_mem>>) src(%dma_wait3A_181 : memref<128xi32, #tpu.memory_space<hbm>>) dst(%dma_wait3A_180 : memref<128xi32, #tpu.memory_space<vmem>>)
      tpu.yield
    }) : () -> ()
    %run_scoped3A_30 = arith.constant 0 : i32
    "tpu.region"() ({
      %run_scoped3A_165 = tpu.sem_alloc : memref<!tpu.dma_semaphore, #tpu.memory_space<semaphore_mem>>
      %dma_start3A_166 = arith.constant 0 : i32
      %dma_start3A_167 = tpu.memref_slice %arg10[%run_scoped3A_30, %dma_start3A_166] : memref<1x128xi32, #tpu.memory_space<vmem>> -> memref<1x128xi32, #tpu.memory_space<vmem>>
      %dma_start3A_168 = tpu.memref_squeeze %dma_start3A_167 : memref<1x128xi32, #tpu.memory_space<vmem>> -> memref<128xi32, #tpu.memory_space<vmem>>
      %dma_start3A_169 = tpu.memref_slice %arg4[%add3A_28] : memref<32000xi32, #tpu.memory_space<hbm>> -> memref<128xi32, #tpu.memory_space<hbm>>
      %dma_start3A_170 = arith.constant 0 : i32
      %dma_start3A_171 = tpu.memref_slice %arg10[%run_scoped3A_30, %dma_start3A_170] : memref<1x128xi32, #tpu.memory_space<vmem>> -> memref<1x128xi32, #tpu.memory_space<vmem>>
      %dma_start3A_172 = tpu.memref_squeeze %dma_start3A_171 : memref<1x128xi32, #tpu.memory_space<vmem>> -> memref<128xi32, #tpu.memory_space<vmem>>
      %dma_start3A_173 = tpu.memref_slice %arg4[%add3A_28] : memref<32000xi32, #tpu.memory_space<hbm>> -> memref<128xi32, #tpu.memory_space<hbm>>
      tpu.enqueue_dma source(%dma_start3A_173 : memref<128xi32, #tpu.memory_space<hbm>>) target(%dma_start3A_172 : memref<128xi32, #tpu.memory_space<vmem>>) target_semaphore(%run_scoped3A_165 : memref<!tpu.dma_semaphore, #tpu.memory_space<semaphore_mem>>)
      %dma_wait3A_174 = arith.constant 0 : i32
      %dma_wait3A_175 = tpu.memref_slice %arg10[%run_scoped3A_30, %dma_wait3A_174] : memref<1x128xi32, #tpu.memory_space<vmem>> -> memref<1x128xi32, #tpu.memory_space<vmem>>
      %dma_wait3A_176 = tpu.memref_squeeze %dma_wait3A_175 : memref<1x128xi32, #tpu.memory_space<vmem>> -> memref<128xi32, #tpu.memory_space<vmem>>
      %dma_wait3A_177 = tpu.memref_slice %arg4[%add3A_28] : memref<32000xi32, #tpu.memory_space<hbm>> -> memref<128xi32, #tpu.memory_space<hbm>>
      %dma_wait3A_178 = arith.constant 0 : i32
      %dma_wait3A_179 = tpu.memref_slice %arg10[%run_scoped3A_30, %dma_wait3A_178] : memref<1x128xi32, #tpu.memory_space<vmem>> -> memref<1x128xi32, #tpu.memory_space<vmem>>
      %dma_wait3A_180 = tpu.memref_squeeze %dma_wait3A_179 : memref<1x128xi32, #tpu.memory_space<vmem>> -> memref<128xi32, #tpu.memory_space<vmem>>
      %dma_wait3A_181 = tpu.memref_slice %arg4[%add3A_28] : memref<32000xi32, #tpu.memory_space<hbm>> -> memref<128xi32, #tpu.memory_space<hbm>>
      tpu.wait_dma2 semaphore(%run_scoped3A_165 : memref<!tpu.dma_semaphore, #tpu.memory_space<semaphore_mem>>) src(%dma_wait3A_181 : memref<128xi32, #tpu.memory_space<hbm>>) dst(%dma_wait3A_180 : memref<128xi32, #tpu.memory_space<vmem>>)
      tpu.yield
    }) : () -> ()
    %dma_start3A_31 = arith.constant 0 : i32
    %dma_start3A_32 = arith.constant 0 : i32
    %dma_start3A_33 = tpu.memref_slice %arg8[%dma_start3A_31, %dma_start3A_32] : memref<1x128xi32, #tpu.memory_space<vmem>> -> memref<1x128xi32, #tpu.memory_space<vmem>>
    %dma_start3A_34 = tpu.memref_squeeze %dma_start3A_33 : memref<1x128xi32, #tpu.memory_space<vmem>> -> memref<128xi32, #tpu.memory_space<vmem>>
    %dma_start3A_35 = arith.constant 0 : i32
    %dma_start3A_36 = arith.constant 0 : i32
    %dma_start3A_37 = tpu.memref_slice %arg2[%dma_start3A_35, %dma_start3A_36] : memref<2000x128xf32, #tpu.memory_space<hbm>> -> memref<2000x128xf32, #tpu.memory_space<hbm>>
    tpu.enqueue_indirect_dma source(%dma_start3A_37 : memref<2000x128xf32, #tpu.memory_space<hbm>>) target(%arg6 : memref<128x128xf32, #tpu.memory_space<vmem>>) offsets(%dma_start3A_34 : memref<128xi32, #tpu.memory_space<vmem>>) semaphore(%arg14 : memref<!tpu.dma_semaphore, #tpu.memory_space<semaphore_mem>>)
    %dma_wait3A_38 = arith.constant 0 : i32
    %dma_wait3A_39 = arith.constant 0 : i32
    %dma_wait3A_40 = tpu.memref_slice %arg8[%dma_wait3A_38, %dma_wait3A_39] : memref<1x128xi32, #tpu.memory_space<vmem>> -> memref<1x128xi32, #tpu.memory_space<vmem>>
    %dma_wait3A_41 = tpu.memref_squeeze %dma_wait3A_40 : memref<1x128xi32, #tpu.memory_space<vmem>> -> memref<128xi32, #tpu.memory_space<vmem>>
    %dma_wait3A_42 = arith.constant 0 : i32
    %dma_wait3A_43 = arith.constant 0 : i32
    %dma_wait3A_44 = tpu.memref_slice %arg2[%dma_wait3A_42, %dma_wait3A_43] : memref<2000x128xf32, #tpu.memory_space<hbm>> -> memref<2000x128xf32, #tpu.memory_space<hbm>>
    tpu.wait_indirect_dma semaphore(%arg14 : memref<!tpu.dma_semaphore, #tpu.memory_space<semaphore_mem>>) src(%dma_wait3A_44 : memref<2000x128xf32, #tpu.memory_space<hbm>>) dst(%arg6 : memref<128x128xf32, #tpu.memory_space<vmem>>)
    %run_scoped3A_45 = arith.constant 0 : i32
    "tpu.region"() ({
      %run_scoped3A_165 = tpu.sem_alloc : memref<!tpu.dma_semaphore, #tpu.memory_space<semaphore_mem>>
      %dma_start3A_166 = arith.constant 0 : i32
      %dma_start3A_167 = tpu.memref_slice %arg10[%run_scoped3A_45, %dma_start3A_166] : memref<1x128xi32, #tpu.memory_space<vmem>> -> memref<1x128xi32, #tpu.memory_space<vmem>>
      %dma_start3A_168 = tpu.memref_squeeze %dma_start3A_167 : memref<1x128xi32, #tpu.memory_space<vmem>> -> memref<128xi32, #tpu.memory_space<vmem>>
      %dma_start3A_169 = arith.constant 0 : i32
      %dma_start3A_170 = arith.constant 0 : i32
      %dma_start3A_171 = tpu.memref_slice %arg13[%dma_start3A_169, %dma_start3A_170] : memref<2048x128xf32, #tpu.memory_space<vmem_shared>> -> memref<2048x128xf32, #tpu.memory_space<vmem_shared>>
      tpu.enqueue_indirect_dma source(%arg6 : memref<128x128xf32, #tpu.memory_space<vmem>>) target(%dma_start3A_171 : memref<2048x128xf32, #tpu.memory_space<vmem_shared>>) offsets(%dma_start3A_168 : memref<128xi32, #tpu.memory_space<vmem>>) semaphore(%run_scoped3A_165 : memref<!tpu.dma_semaphore, #tpu.memory_space<semaphore_mem>>) {add = true}
      %dma_wait3A_172 = arith.constant 0 : i32
      %dma_wait3A_173 = tpu.memref_slice %arg10[%run_scoped3A_45, %dma_wait3A_172] : memref<1x128xi32, #tpu.memory_space<vmem>> -> memref<1x128xi32, #tpu.memory_space<vmem>>
      %dma_wait3A_174 = tpu.memref_squeeze %dma_wait3A_173 : memref<1x128xi32, #tpu.memory_space<vmem>> -> memref<128xi32, #tpu.memory_space<vmem>>
      %dma_wait3A_175 = arith.constant 0 : i32
      %dma_wait3A_176 = arith.constant 0 : i32
      %dma_wait3A_177 = tpu.memref_slice %arg13[%dma_wait3A_175, %dma_wait3A_176] : memref<2048x128xf32, #tpu.memory_space<vmem_shared>> -> memref<2048x128xf32, #tpu.memory_space<vmem_shared>>
      tpu.wait_indirect_dma semaphore(%run_scoped3A_165 : memref<!tpu.dma_semaphore, #tpu.memory_space<semaphore_mem>>) src(%arg6 : memref<128x128xf32, #tpu.memory_space<vmem>>) dst(%dma_wait3A_177 : memref<2048x128xf32, #tpu.memory_space<vmem_shared>>)
      tpu.yield
    }) : () -> ()
    %add3A_46 = arith.constant 256 : i32
    %add3A_47 = arith.addi %mul3A_10, %add3A_46 : i32
    %run_scoped3A_48 = arith.constant 0 : i32
    "tpu.region"() ({
      %run_scoped3A_165 = tpu.sem_alloc : memref<!tpu.dma_semaphore, #tpu.memory_space<semaphore_mem>>
      %dma_start3A_166 = arith.constant 0 : i32
      %dma_start3A_167 = tpu.memref_slice %arg8[%run_scoped3A_48, %dma_start3A_166] : memref<1x128xi32, #tpu.memory_space<vmem>> -> memref<1x128xi32, #tpu.memory_space<vmem>>
      %dma_start3A_168 = tpu.memref_squeeze %dma_start3A_167 : memref<1x128xi32, #tpu.memory_space<vmem>> -> memref<128xi32, #tpu.memory_space<vmem>>
      %dma_start3A_169 = tpu.memref_slice %arg3[%add3A_47] : memref<32000xi32, #tpu.memory_space<hbm>> -> memref<128xi32, #tpu.memory_space<hbm>>
      %dma_start3A_170 = arith.constant 0 : i32
      %dma_start3A_171 = tpu.memref_slice %arg8[%run_scoped3A_48, %dma_start3A_170] : memref<1x128xi32, #tpu.memory_space<vmem>> -> memref<1x128xi32, #tpu.memory_space<vmem>>
      %dma_start3A_172 = tpu.memref_squeeze %dma_start3A_171 : memref<1x128xi32, #tpu.memory_space<vmem>> -> memref<128xi32, #tpu.memory_space<vmem>>
      %dma_start3A_173 = tpu.memref_slice %arg3[%add3A_47] : memref<32000xi32, #tpu.memory_space<hbm>> -> memref<128xi32, #tpu.memory_space<hbm>>
      tpu.enqueue_dma source(%dma_start3A_173 : memref<128xi32, #tpu.memory_space<hbm>>) target(%dma_start3A_172 : memref<128xi32, #tpu.memory_space<vmem>>) target_semaphore(%run_scoped3A_165 : memref<!tpu.dma_semaphore, #tpu.memory_space<semaphore_mem>>)
      %dma_wait3A_174 = arith.constant 0 : i32
      %dma_wait3A_175 = tpu.memref_slice %arg8[%run_scoped3A_48, %dma_wait3A_174] : memref<1x128xi32, #tpu.memory_space<vmem>> -> memref<1x128xi32, #tpu.memory_space<vmem>>
      %dma_wait3A_176 = tpu.memref_squeeze %dma_wait3A_175 : memref<1x128xi32, #tpu.memory_space<vmem>> -> memref<128xi32, #tpu.memory_space<vmem>>
      %dma_wait3A_177 = tpu.memref_slice %arg3[%add3A_47] : memref<32000xi32, #tpu.memory_space<hbm>> -> memref<128xi32, #tpu.memory_space<hbm>>
      %dma_wait3A_178 = arith.constant 0 : i32
      %dma_wait3A_179 = tpu.memref_slice %arg8[%run_scoped3A_48, %dma_wait3A_178] : memref<1x128xi32, #tpu.memory_space<vmem>> -> memref<1x128xi32, #tpu.memory_space<vmem>>
      %dma_wait3A_180 = tpu.memref_squeeze %dma_wait3A_179 : memref<1x128xi32, #tpu.memory_space<vmem>> -> memref<128xi32, #tpu.memory_space<vmem>>
      %dma_wait3A_181 = tpu.memref_slice %arg3[%add3A_47] : memref<32000xi32, #tpu.memory_space<hbm>> -> memref<128xi32, #tpu.memory_space<hbm>>
      tpu.wait_dma2 semaphore(%run_scoped3A_165 : memref<!tpu.dma_semaphore, #tpu.memory_space<semaphore_mem>>) src(%dma_wait3A_181 : memref<128xi32, #tpu.memory_space<hbm>>) dst(%dma_wait3A_180 : memref<128xi32, #tpu.memory_space<vmem>>)
      tpu.yield
    }) : () -> ()
    %run_scoped3A_49 = arith.constant 0 : i32
    "tpu.region"() ({
      %run_scoped3A_165 = tpu.sem_alloc : memref<!tpu.dma_semaphore, #tpu.memory_space<semaphore_mem>>
      %dma_start3A_166 = arith.constant 0 : i32
      %dma_start3A_167 = tpu.memref_slice %arg10[%run_scoped3A_49, %dma_start3A_166] : memref<1x128xi32, #tpu.memory_space<vmem>> -> memref<1x128xi32, #tpu.memory_space<vmem>>
      %dma_start3A_168 = tpu.memref_squeeze %dma_start3A_167 : memref<1x128xi32, #tpu.memory_space<vmem>> -> memref<128xi32, #tpu.memory_space<vmem>>
      %dma_start3A_169 = tpu.memref_slice %arg4[%add3A_47] : memref<32000xi32, #tpu.memory_space<hbm>> -> memref<128xi32, #tpu.memory_space<hbm>>
      %dma_start3A_170 = arith.constant 0 : i32
      %dma_start3A_171 = tpu.memref_slice %arg10[%run_scoped3A_49, %dma_start3A_170] : memref<1x128xi32, #tpu.memory_space<vmem>> -> memref<1x128xi32, #tpu.memory_space<vmem>>
      %dma_start3A_172 = tpu.memref_squeeze %dma_start3A_171 : memref<1x128xi32, #tpu.memory_space<vmem>> -> memref<128xi32, #tpu.memory_space<vmem>>
      %dma_start3A_173 = tpu.memref_slice %arg4[%add3A_47] : memref<32000xi32, #tpu.memory_space<hbm>> -> memref<128xi32, #tpu.memory_space<hbm>>
      tpu.enqueue_dma source(%dma_start3A_173 : memref<128xi32, #tpu.memory_space<hbm>>) target(%dma_start3A_172 : memref<128xi32, #tpu.memory_space<vmem>>) target_semaphore(%run_scoped3A_165 : memref<!tpu.dma_semaphore, #tpu.memory_space<semaphore_mem>>)
      %dma_wait3A_174 = arith.constant 0 : i32
      %dma_wait3A_175 = tpu.memref_slice %arg10[%run_scoped3A_49, %dma_wait3A_174] : memref<1x128xi32, #tpu.memory_space<vmem>> -> memref<1x128xi32, #tpu.memory_space<vmem>>
      %dma_wait3A_176 = tpu.memref_squeeze %dma_wait3A_175 : memref<1x128xi32, #tpu.memory_space<vmem>> -> memref<128xi32, #tpu.memory_space<vmem>>
      %dma_wait3A_177 = tpu.memref_slice %arg4[%add3A_47] : memref<32000xi32, #tpu.memory_space<hbm>> -> memref<128xi32, #tpu.memory_space<hbm>>
      %dma_wait3A_178 = arith.constant 0 : i32
      %dma_wait3A_179 = tpu.memref_slice %arg10[%run_scoped3A_49, %dma_wait3A_178] : memref<1x128xi32, #tpu.memory_space<vmem>> -> memref<1x128xi32, #tpu.memory_space<vmem>>
      %dma_wait3A_180 = tpu.memref_squeeze %dma_wait3A_179 : memref<1x128xi32, #tpu.memory_space<vmem>> -> memref<128xi32, #tpu.memory_space<vmem>>
      %dma_wait3A_181 = tpu.memref_slice %arg4[%add3A_47] : memref<32000xi32, #tpu.memory_space<hbm>> -> memref<128xi32, #tpu.memory_space<hbm>>
      tpu.wait_dma2 semaphore(%run_scoped3A_165 : memref<!tpu.dma_semaphore, #tpu.memory_space<semaphore_mem>>) src(%dma_wait3A_181 : memref<128xi32, #tpu.memory_space<hbm>>) dst(%dma_wait3A_180 : memref<128xi32, #tpu.memory_space<vmem>>)
      tpu.yield
    }) : () -> ()
    %dma_start3A_50 = arith.constant 0 : i32
    %dma_start3A_51 = arith.constant 0 : i32
    %dma_start3A_52 = tpu.memref_slice %arg8[%dma_start3A_50, %dma_start3A_51] : memref<1x128xi32, #tpu.memory_space<vmem>> -> memref<1x128xi32, #tpu.memory_space<vmem>>
    %dma_start3A_53 = tpu.memref_squeeze %dma_start3A_52 : memref<1x128xi32, #tpu.memory_space<vmem>> -> memref<128xi32, #tpu.memory_space<vmem>>
    %dma_start3A_54 = arith.constant 0 : i32
    %dma_start3A_55 = arith.constant 0 : i32
    %dma_start3A_56 = tpu.memref_slice %arg2[%dma_start3A_54, %dma_start3A_55] : memref<2000x128xf32, #tpu.memory_space<hbm>> -> memref<2000x128xf32, #tpu.memory_space<hbm>>
    tpu.enqueue_indirect_dma source(%dma_start3A_56 : memref<2000x128xf32, #tpu.memory_space<hbm>>) target(%arg6 : memref<128x128xf32, #tpu.memory_space<vmem>>) offsets(%dma_start3A_53 : memref<128xi32, #tpu.memory_space<vmem>>) semaphore(%arg14 : memref<!tpu.dma_semaphore, #tpu.memory_space<semaphore_mem>>)
    %dma_wait3A_57 = arith.constant 0 : i32
    %dma_wait3A_58 = arith.constant 0 : i32
    %dma_wait3A_59 = tpu.memref_slice %arg8[%dma_wait3A_57, %dma_wait3A_58] : memref<1x128xi32, #tpu.memory_space<vmem>> -> memref<1x128xi32, #tpu.memory_space<vmem>>
    %dma_wait3A_60 = tpu.memref_squeeze %dma_wait3A_59 : memref<1x128xi32, #tpu.memory_space<vmem>> -> memref<128xi32, #tpu.memory_space<vmem>>
    %dma_wait3A_61 = arith.constant 0 : i32
    %dma_wait3A_62 = arith.constant 0 : i32
    %dma_wait3A_63 = tpu.memref_slice %arg2[%dma_wait3A_61, %dma_wait3A_62] : memref<2000x128xf32, #tpu.memory_space<hbm>> -> memref<2000x128xf32, #tpu.memory_space<hbm>>
    tpu.wait_indirect_dma semaphore(%arg14 : memref<!tpu.dma_semaphore, #tpu.memory_space<semaphore_mem>>) src(%dma_wait3A_63 : memref<2000x128xf32, #tpu.memory_space<hbm>>) dst(%arg6 : memref<128x128xf32, #tpu.memory_space<vmem>>)
    %run_scoped3A_64 = arith.constant 0 : i32
    "tpu.region"() ({
      %run_scoped3A_165 = tpu.sem_alloc : memref<!tpu.dma_semaphore, #tpu.memory_space<semaphore_mem>>
      %dma_start3A_166 = arith.constant 0 : i32
      %dma_start3A_167 = tpu.memref_slice %arg10[%run_scoped3A_64, %dma_start3A_166] : memref<1x128xi32, #tpu.memory_space<vmem>> -> memref<1x128xi32, #tpu.memory_space<vmem>>
      %dma_start3A_168 = tpu.memref_squeeze %dma_start3A_167 : memref<1x128xi32, #tpu.memory_space<vmem>> -> memref<128xi32, #tpu.memory_space<vmem>>
      %dma_start3A_169 = arith.constant 0 : i32
      %dma_start3A_170 = arith.constant 0 : i32
      %dma_start3A_171 = tpu.memref_slice %arg13[%dma_start3A_169, %dma_start3A_170] : memref<2048x128xf32, #tpu.memory_space<vmem_shared>> -> memref<2048x128xf32, #tpu.memory_space<vmem_shared>>
      tpu.enqueue_indirect_dma source(%arg6 : memref<128x128xf32, #tpu.memory_space<vmem>>) target(%dma_start3A_171 : memref<2048x128xf32, #tpu.memory_space<vmem_shared>>) offsets(%dma_start3A_168 : memref<128xi32, #tpu.memory_space<vmem>>) semaphore(%run_scoped3A_165 : memref<!tpu.dma_semaphore, #tpu.memory_space<semaphore_mem>>) {add = true}
      %dma_wait3A_172 = arith.constant 0 : i32
      %dma_wait3A_173 = tpu.memref_slice %arg10[%run_scoped3A_64, %dma_wait3A_172] : memref<1x128xi32, #tpu.memory_space<vmem>> -> memref<1x128xi32, #tpu.memory_space<vmem>>
      %dma_wait3A_174 = tpu.memref_squeeze %dma_wait3A_173 : memref<1x128xi32, #tpu.memory_space<vmem>> -> memref<128xi32, #tpu.memory_space<vmem>>
      %dma_wait3A_175 = arith.constant 0 : i32
      %dma_wait3A_176 = arith.constant 0 : i32
      %dma_wait3A_177 = tpu.memref_slice %arg13[%dma_wait3A_175, %dma_wait3A_176] : memref<2048x128xf32, #tpu.memory_space<vmem_shared>> -> memref<2048x128xf32, #tpu.memory_space<vmem_shared>>
      tpu.wait_indirect_dma semaphore(%run_scoped3A_165 : memref<!tpu.dma_semaphore, #tpu.memory_space<semaphore_mem>>) src(%arg6 : memref<128x128xf32, #tpu.memory_space<vmem>>) dst(%dma_wait3A_177 : memref<2048x128xf32, #tpu.memory_space<vmem_shared>>)
      tpu.yield
    }) : () -> ()
    %add3A_65 = arith.constant 384 : i32
    %add3A_66 = arith.addi %mul3A_10, %add3A_65 : i32
    %run_scoped3A_67 = arith.constant 0 : i32
    "tpu.region"() ({
      %run_scoped3A_165 = tpu.sem_alloc : memref<!tpu.dma_semaphore, #tpu.memory_space<semaphore_mem>>
      %dma_start3A_166 = arith.constant 0 : i32
      %dma_start3A_167 = tpu.memref_slice %arg8[%run_scoped3A_67, %dma_start3A_166] : memref<1x128xi32, #tpu.memory_space<vmem>> -> memref<1x128xi32, #tpu.memory_space<vmem>>
      %dma_start3A_168 = tpu.memref_squeeze %dma_start3A_167 : memref<1x128xi32, #tpu.memory_space<vmem>> -> memref<128xi32, #tpu.memory_space<vmem>>
      %dma_start3A_169 = tpu.memref_slice %arg3[%add3A_66] : memref<32000xi32, #tpu.memory_space<hbm>> -> memref<128xi32, #tpu.memory_space<hbm>>
      %dma_start3A_170 = arith.constant 0 : i32
      %dma_start3A_171 = tpu.memref_slice %arg8[%run_scoped3A_67, %dma_start3A_170] : memref<1x128xi32, #tpu.memory_space<vmem>> -> memref<1x128xi32, #tpu.memory_space<vmem>>
      %dma_start3A_172 = tpu.memref_squeeze %dma_start3A_171 : memref<1x128xi32, #tpu.memory_space<vmem>> -> memref<128xi32, #tpu.memory_space<vmem>>
      %dma_start3A_173 = tpu.memref_slice %arg3[%add3A_66] : memref<32000xi32, #tpu.memory_space<hbm>> -> memref<128xi32, #tpu.memory_space<hbm>>
      tpu.enqueue_dma source(%dma_start3A_173 : memref<128xi32, #tpu.memory_space<hbm>>) target(%dma_start3A_172 : memref<128xi32, #tpu.memory_space<vmem>>) target_semaphore(%run_scoped3A_165 : memref<!tpu.dma_semaphore, #tpu.memory_space<semaphore_mem>>)
      %dma_wait3A_174 = arith.constant 0 : i32
      %dma_wait3A_175 = tpu.memref_slice %arg8[%run_scoped3A_67, %dma_wait3A_174] : memref<1x128xi32, #tpu.memory_space<vmem>> -> memref<1x128xi32, #tpu.memory_space<vmem>>
      %dma_wait3A_176 = tpu.memref_squeeze %dma_wait3A_175 : memref<1x128xi32, #tpu.memory_space<vmem>> -> memref<128xi32, #tpu.memory_space<vmem>>
      %dma_wait3A_177 = tpu.memref_slice %arg3[%add3A_66] : memref<32000xi32, #tpu.memory_space<hbm>> -> memref<128xi32, #tpu.memory_space<hbm>>
      %dma_wait3A_178 = arith.constant 0 : i32
      %dma_wait3A_179 = tpu.memref_slice %arg8[%run_scoped3A_67, %dma_wait3A_178] : memref<1x128xi32, #tpu.memory_space<vmem>> -> memref<1x128xi32, #tpu.memory_space<vmem>>
      %dma_wait3A_180 = tpu.memref_squeeze %dma_wait3A_179 : memref<1x128xi32, #tpu.memory_space<vmem>> -> memref<128xi32, #tpu.memory_space<vmem>>
      %dma_wait3A_181 = tpu.memref_slice %arg3[%add3A_66] : memref<32000xi32, #tpu.memory_space<hbm>> -> memref<128xi32, #tpu.memory_space<hbm>>
      tpu.wait_dma2 semaphore(%run_scoped3A_165 : memref<!tpu.dma_semaphore, #tpu.memory_space<semaphore_mem>>) src(%dma_wait3A_181 : memref<128xi32, #tpu.memory_space<hbm>>) dst(%dma_wait3A_180 : memref<128xi32, #tpu.memory_space<vmem>>)
      tpu.yield
    }) : () -> ()
    %run_scoped3A_68 = arith.constant 0 : i32
    "tpu.region"() ({
      %run_scoped3A_165 = tpu.sem_alloc : memref<!tpu.dma_semaphore, #tpu.memory_space<semaphore_mem>>
      %dma_start3A_166 = arith.constant 0 : i32
      %dma_start3A_167 = tpu.memref_slice %arg10[%run_scoped3A_68, %dma_start3A_166] : memref<1x128xi32, #tpu.memory_space<vmem>> -> memref<1x128xi32, #tpu.memory_space<vmem>>
      %dma_start3A_168 = tpu.memref_squeeze %dma_start3A_167 : memref<1x128xi32, #tpu.memory_space<vmem>> -> memref<128xi32, #tpu.memory_space<vmem>>
      %dma_start3A_169 = tpu.memref_slice %arg4[%add3A_66] : memref<32000xi32, #tpu.memory_space<hbm>> -> memref<128xi32, #tpu.memory_space<hbm>>
      %dma_start3A_170 = arith.constant 0 : i32
      %dma_start3A_171 = tpu.memref_slice %arg10[%run_scoped3A_68, %dma_start3A_170] : memref<1x128xi32, #tpu.memory_space<vmem>> -> memref<1x128xi32, #tpu.memory_space<vmem>>
      %dma_start3A_172 = tpu.memref_squeeze %dma_start3A_171 : memref<1x128xi32, #tpu.memory_space<vmem>> -> memref<128xi32, #tpu.memory_space<vmem>>
      %dma_start3A_173 = tpu.memref_slice %arg4[%add3A_66] : memref<32000xi32, #tpu.memory_space<hbm>> -> memref<128xi32, #tpu.memory_space<hbm>>
      tpu.enqueue_dma source(%dma_start3A_173 : memref<128xi32, #tpu.memory_space<hbm>>) target(%dma_start3A_172 : memref<128xi32, #tpu.memory_space<vmem>>) target_semaphore(%run_scoped3A_165 : memref<!tpu.dma_semaphore, #tpu.memory_space<semaphore_mem>>)
      %dma_wait3A_174 = arith.constant 0 : i32
      %dma_wait3A_175 = tpu.memref_slice %arg10[%run_scoped3A_68, %dma_wait3A_174] : memref<1x128xi32, #tpu.memory_space<vmem>> -> memref<1x128xi32, #tpu.memory_space<vmem>>
      %dma_wait3A_176 = tpu.memref_squeeze %dma_wait3A_175 : memref<1x128xi32, #tpu.memory_space<vmem>> -> memref<128xi32, #tpu.memory_space<vmem>>
      %dma_wait3A_177 = tpu.memref_slice %arg4[%add3A_66] : memref<32000xi32, #tpu.memory_space<hbm>> -> memref<128xi32, #tpu.memory_space<hbm>>
      %dma_wait3A_178 = arith.constant 0 : i32
      %dma_wait3A_179 = tpu.memref_slice %arg10[%run_scoped3A_68, %dma_wait3A_178] : memref<1x128xi32, #tpu.memory_space<vmem>> -> memref<1x128xi32, #tpu.memory_space<vmem>>
      %dma_wait3A_180 = tpu.memref_squeeze %dma_wait3A_179 : memref<1x128xi32, #tpu.memory_space<vmem>> -> memref<128xi32, #tpu.memory_space<vmem>>
      %dma_wait3A_181 = tpu.memref_slice %arg4[%add3A_66] : memref<32000xi32, #tpu.memory_space<hbm>> -> memref<128xi32, #tpu.memory_space<hbm>>
      tpu.wait_dma2 semaphore(%run_scoped3A_165 : memref<!tpu.dma_semaphore, #tpu.memory_space<semaphore_mem>>) src(%dma_wait3A_181 : memref<128xi32, #tpu.memory_space<hbm>>) dst(%dma_wait3A_180 : memref<128xi32, #tpu.memory_space<vmem>>)
      tpu.yield
    }) : () -> ()
    %dma_start3A_69 = arith.constant 0 : i32
    %dma_start3A_70 = arith.constant 0 : i32
    %dma_start3A_71 = tpu.memref_slice %arg8[%dma_start3A_69, %dma_start3A_70] : memref<1x128xi32, #tpu.memory_space<vmem>> -> memref<1x128xi32, #tpu.memory_space<vmem>>
    %dma_start3A_72 = tpu.memref_squeeze %dma_start3A_71 : memref<1x128xi32, #tpu.memory_space<vmem>> -> memref<128xi32, #tpu.memory_space<vmem>>
    %dma_start3A_73 = arith.constant 0 : i32
    %dma_start3A_74 = arith.constant 0 : i32
    %dma_start3A_75 = tpu.memref_slice %arg2[%dma_start3A_73, %dma_start3A_74] : memref<2000x128xf32, #tpu.memory_space<hbm>> -> memref<2000x128xf32, #tpu.memory_space<hbm>>
    tpu.enqueue_indirect_dma source(%dma_start3A_75 : memref<2000x128xf32, #tpu.memory_space<hbm>>) target(%arg6 : memref<128x128xf32, #tpu.memory_space<vmem>>) offsets(%dma_start3A_72 : memref<128xi32, #tpu.memory_space<vmem>>) semaphore(%arg14 : memref<!tpu.dma_semaphore, #tpu.memory_space<semaphore_mem>>)
    %dma_wait3A_76 = arith.constant 0 : i32
    %dma_wait3A_77 = arith.constant 0 : i32
    %dma_wait3A_78 = tpu.memref_slice %arg8[%dma_wait3A_76, %dma_wait3A_77] : memref<1x128xi32, #tpu.memory_space<vmem>> -> memref<1x128xi32, #tpu.memory_space<vmem>>
    %dma_wait3A_79 = tpu.memref_squeeze %dma_wait3A_78 : memref<1x128xi32, #tpu.memory_space<vmem>> -> memref<128xi32, #tpu.memory_space<vmem>>
    %dma_wait3A_80 = arith.constant 0 : i32
    %dma_wait3A_81 = arith.constant 0 : i32
    %dma_wait3A_82 = tpu.memref_slice %arg2[%dma_wait3A_80, %dma_wait3A_81] : memref<2000x128xf32, #tpu.memory_space<hbm>> -> memref<2000x128xf32, #tpu.memory_space<hbm>>
    tpu.wait_indirect_dma semaphore(%arg14 : memref<!tpu.dma_semaphore, #tpu.memory_space<semaphore_mem>>) src(%dma_wait3A_82 : memref<2000x128xf32, #tpu.memory_space<hbm>>) dst(%arg6 : memref<128x128xf32, #tpu.memory_space<vmem>>)
    %run_scoped3A_83 = arith.constant 0 : i32
    "tpu.region"() ({
      %run_scoped3A_165 = tpu.sem_alloc : memref<!tpu.dma_semaphore, #tpu.memory_space<semaphore_mem>>
      %dma_start3A_166 = arith.constant 0 : i32
      %dma_start3A_167 = tpu.memref_slice %arg10[%run_scoped3A_83, %dma_start3A_166] : memref<1x128xi32, #tpu.memory_space<vmem>> -> memref<1x128xi32, #tpu.memory_space<vmem>>
      %dma_start3A_168 = tpu.memref_squeeze %dma_start3A_167 : memref<1x128xi32, #tpu.memory_space<vmem>> -> memref<128xi32, #tpu.memory_space<vmem>>
      %dma_start3A_169 = arith.constant 0 : i32
      %dma_start3A_170 = arith.constant 0 : i32
      %dma_start3A_171 = tpu.memref_slice %arg13[%dma_start3A_169, %dma_start3A_170] : memref<2048x128xf32, #tpu.memory_space<vmem_shared>> -> memref<2048x128xf32, #tpu.memory_space<vmem_shared>>
      tpu.enqueue_indirect_dma source(%arg6 : memref<128x128xf32, #tpu.memory_space<vmem>>) target(%dma_start3A_171 : memref<2048x128xf32, #tpu.memory_space<vmem_shared>>) offsets(%dma_start3A_168 : memref<128xi32, #tpu.memory_space<vmem>>) semaphore(%run_scoped3A_165 : memref<!tpu.dma_semaphore, #tpu.memory_space<semaphore_mem>>) {add = true}
      %dma_wait3A_172 = arith.constant 0 : i32
      %dma_wait3A_173 = tpu.memref_slice %arg10[%run_scoped3A_83, %dma_wait3A_172] : memref<1x128xi32, #tpu.memory_space<vmem>> -> memref<1x128xi32, #tpu.memory_space<vmem>>
      %dma_wait3A_174 = tpu.memref_squeeze %dma_wait3A_173 : memref<1x128xi32, #tpu.memory_space<vmem>> -> memref<128xi32, #tpu.memory_space<vmem>>
      %dma_wait3A_175 = arith.constant 0 : i32
      %dma_wait3A_176 = arith.constant 0 : i32
      %dma_wait3A_177 = tpu.memref_slice %arg13[%dma_wait3A_175, %dma_wait3A_176] : memref<2048x128xf32, #tpu.memory_space<vmem_shared>> -> memref<2048x128xf32, #tpu.memory_space<vmem_shared>>
      tpu.wait_indirect_dma semaphore(%run_scoped3A_165 : memref<!tpu.dma_semaphore, #tpu.memory_space<semaphore_mem>>) src(%arg6 : memref<128x128xf32, #tpu.memory_space<vmem>>) dst(%dma_wait3A_177 : memref<2048x128xf32, #tpu.memory_space<vmem_shared>>)
      tpu.yield
    }) : () -> ()
    %add3A_84 = arith.constant 512 : i32
    %add3A_85 = arith.addi %mul3A_10, %add3A_84 : i32
    %run_scoped3A_86 = arith.constant 0 : i32
    "tpu.region"() ({
      %run_scoped3A_165 = tpu.sem_alloc : memref<!tpu.dma_semaphore, #tpu.memory_space<semaphore_mem>>
      %dma_start3A_166 = arith.constant 0 : i32
      %dma_start3A_167 = tpu.memref_slice %arg8[%run_scoped3A_86, %dma_start3A_166] : memref<1x128xi32, #tpu.memory_space<vmem>> -> memref<1x128xi32, #tpu.memory_space<vmem>>
      %dma_start3A_168 = tpu.memref_squeeze %dma_start3A_167 : memref<1x128xi32, #tpu.memory_space<vmem>> -> memref<128xi32, #tpu.memory_space<vmem>>
      %dma_start3A_169 = tpu.memref_slice %arg3[%add3A_85] : memref<32000xi32, #tpu.memory_space<hbm>> -> memref<128xi32, #tpu.memory_space<hbm>>
      %dma_start3A_170 = arith.constant 0 : i32
      %dma_start3A_171 = tpu.memref_slice %arg8[%run_scoped3A_86, %dma_start3A_170] : memref<1x128xi32, #tpu.memory_space<vmem>> -> memref<1x128xi32, #tpu.memory_space<vmem>>
      %dma_start3A_172 = tpu.memref_squeeze %dma_start3A_171 : memref<1x128xi32, #tpu.memory_space<vmem>> -> memref<128xi32, #tpu.memory_space<vmem>>
      %dma_start3A_173 = tpu.memref_slice %arg3[%add3A_85] : memref<32000xi32, #tpu.memory_space<hbm>> -> memref<128xi32, #tpu.memory_space<hbm>>
      tpu.enqueue_dma source(%dma_start3A_173 : memref<128xi32, #tpu.memory_space<hbm>>) target(%dma_start3A_172 : memref<128xi32, #tpu.memory_space<vmem>>) target_semaphore(%run_scoped3A_165 : memref<!tpu.dma_semaphore, #tpu.memory_space<semaphore_mem>>)
      %dma_wait3A_174 = arith.constant 0 : i32
      %dma_wait3A_175 = tpu.memref_slice %arg8[%run_scoped3A_86, %dma_wait3A_174] : memref<1x128xi32, #tpu.memory_space<vmem>> -> memref<1x128xi32, #tpu.memory_space<vmem>>
      %dma_wait3A_176 = tpu.memref_squeeze %dma_wait3A_175 : memref<1x128xi32, #tpu.memory_space<vmem>> -> memref<128xi32, #tpu.memory_space<vmem>>
      %dma_wait3A_177 = tpu.memref_slice %arg3[%add3A_85] : memref<32000xi32, #tpu.memory_space<hbm>> -> memref<128xi32, #tpu.memory_space<hbm>>
      %dma_wait3A_178 = arith.constant 0 : i32
      %dma_wait3A_179 = tpu.memref_slice %arg8[%run_scoped3A_86, %dma_wait3A_178] : memref<1x128xi32, #tpu.memory_space<vmem>> -> memref<1x128xi32, #tpu.memory_space<vmem>>
      %dma_wait3A_180 = tpu.memref_squeeze %dma_wait3A_179 : memref<1x128xi32, #tpu.memory_space<vmem>> -> memref<128xi32, #tpu.memory_space<vmem>>
      %dma_wait3A_181 = tpu.memref_slice %arg3[%add3A_85] : memref<32000xi32, #tpu.memory_space<hbm>> -> memref<128xi32, #tpu.memory_space<hbm>>
      tpu.wait_dma2 semaphore(%run_scoped3A_165 : memref<!tpu.dma_semaphore, #tpu.memory_space<semaphore_mem>>) src(%dma_wait3A_181 : memref<128xi32, #tpu.memory_space<hbm>>) dst(%dma_wait3A_180 : memref<128xi32, #tpu.memory_space<vmem>>)
      tpu.yield
    }) : () -> ()
    %run_scoped3A_87 = arith.constant 0 : i32
    "tpu.region"() ({
      %run_scoped3A_165 = tpu.sem_alloc : memref<!tpu.dma_semaphore, #tpu.memory_space<semaphore_mem>>
      %dma_start3A_166 = arith.constant 0 : i32
      %dma_start3A_167 = tpu.memref_slice %arg10[%run_scoped3A_87, %dma_start3A_166] : memref<1x128xi32, #tpu.memory_space<vmem>> -> memref<1x128xi32, #tpu.memory_space<vmem>>
      %dma_start3A_168 = tpu.memref_squeeze %dma_start3A_167 : memref<1x128xi32, #tpu.memory_space<vmem>> -> memref<128xi32, #tpu.memory_space<vmem>>
      %dma_start3A_169 = tpu.memref_slice %arg4[%add3A_85] : memref<32000xi32, #tpu.memory_space<hbm>> -> memref<128xi32, #tpu.memory_space<hbm>>
      %dma_start3A_170 = arith.constant 0 : i32
      %dma_start3A_171 = tpu.memref_slice %arg10[%run_scoped3A_87, %dma_start3A_170] : memref<1x128xi32, #tpu.memory_space<vmem>> -> memref<1x128xi32, #tpu.memory_space<vmem>>
      %dma_start3A_172 = tpu.memref_squeeze %dma_start3A_171 : memref<1x128xi32, #tpu.memory_space<vmem>> -> memref<128xi32, #tpu.memory_space<vmem>>
      %dma_start3A_173 = tpu.memref_slice %arg4[%add3A_85] : memref<32000xi32, #tpu.memory_space<hbm>> -> memref<128xi32, #tpu.memory_space<hbm>>
      tpu.enqueue_dma source(%dma_start3A_173 : memref<128xi32, #tpu.memory_space<hbm>>) target(%dma_start3A_172 : memref<128xi32, #tpu.memory_space<vmem>>) target_semaphore(%run_scoped3A_165 : memref<!tpu.dma_semaphore, #tpu.memory_space<semaphore_mem>>)
      %dma_wait3A_174 = arith.constant 0 : i32
      %dma_wait3A_175 = tpu.memref_slice %arg10[%run_scoped3A_87, %dma_wait3A_174] : memref<1x128xi32, #tpu.memory_space<vmem>> -> memref<1x128xi32, #tpu.memory_space<vmem>>
      %dma_wait3A_176 = tpu.memref_squeeze %dma_wait3A_175 : memref<1x128xi32, #tpu.memory_space<vmem>> -> memref<128xi32, #tpu.memory_space<vmem>>
      %dma_wait3A_177 = tpu.memref_slice %arg4[%add3A_85] : memref<32000xi32, #tpu.memory_space<hbm>> -> memref<128xi32, #tpu.memory_space<hbm>>
      %dma_wait3A_178 = arith.constant 0 : i32
      %dma_wait3A_179 = tpu.memref_slice %arg10[%run_scoped3A_87, %dma_wait3A_178] : memref<1x128xi32, #tpu.memory_space<vmem>> -> memref<1x128xi32, #tpu.memory_space<vmem>>
      %dma_wait3A_180 = tpu.memref_squeeze %dma_wait3A_179 : memref<1x128xi32, #tpu.memory_space<vmem>> -> memref<128xi32, #tpu.memory_space<vmem>>
      %dma_wait3A_181 = tpu.memref_slice %arg4[%add3A_85] : memref<32000xi32, #tpu.memory_space<hbm>> -> memref<128xi32, #tpu.memory_space<hbm>>
      tpu.wait_dma2 semaphore(%run_scoped3A_165 : memref<!tpu.dma_semaphore, #tpu.memory_space<semaphore_mem>>) src(%dma_wait3A_181 : memref<128xi32, #tpu.memory_space<hbm>>) dst(%dma_wait3A_180 : memref<128xi32, #tpu.memory_space<vmem>>)
      tpu.yield
    }) : () -> ()
    %dma_start3A_88 = arith.constant 0 : i32
    %dma_start3A_89 = arith.constant 0 : i32
    %dma_start3A_90 = tpu.memref_slice %arg8[%dma_start3A_88, %dma_start3A_89] : memref<1x128xi32, #tpu.memory_space<vmem>> -> memref<1x128xi32, #tpu.memory_space<vmem>>
    %dma_start3A_91 = tpu.memref_squeeze %dma_start3A_90 : memref<1x128xi32, #tpu.memory_space<vmem>> -> memref<128xi32, #tpu.memory_space<vmem>>
    %dma_start3A_92 = arith.constant 0 : i32
    %dma_start3A_93 = arith.constant 0 : i32
    %dma_start3A_94 = tpu.memref_slice %arg2[%dma_start3A_92, %dma_start3A_93] : memref<2000x128xf32, #tpu.memory_space<hbm>> -> memref<2000x128xf32, #tpu.memory_space<hbm>>
    tpu.enqueue_indirect_dma source(%dma_start3A_94 : memref<2000x128xf32, #tpu.memory_space<hbm>>) target(%arg6 : memref<128x128xf32, #tpu.memory_space<vmem>>) offsets(%dma_start3A_91 : memref<128xi32, #tpu.memory_space<vmem>>) semaphore(%arg14 : memref<!tpu.dma_semaphore, #tpu.memory_space<semaphore_mem>>)
    %dma_wait3A_95 = arith.constant 0 : i32
    %dma_wait3A_96 = arith.constant 0 : i32
    %dma_wait3A_97 = tpu.memref_slice %arg8[%dma_wait3A_95, %dma_wait3A_96] : memref<1x128xi32, #tpu.memory_space<vmem>> -> memref<1x128xi32, #tpu.memory_space<vmem>>
    %dma_wait3A_98 = tpu.memref_squeeze %dma_wait3A_97 : memref<1x128xi32, #tpu.memory_space<vmem>> -> memref<128xi32, #tpu.memory_space<vmem>>
    %dma_wait3A_99 = arith.constant 0 : i32
    %dma_wait3A_100 = arith.constant 0 : i32
    %dma_wait3A_101 = tpu.memref_slice %arg2[%dma_wait3A_99, %dma_wait3A_100] : memref<2000x128xf32, #tpu.memory_space<hbm>> -> memref<2000x128xf32, #tpu.memory_space<hbm>>
    tpu.wait_indirect_dma semaphore(%arg14 : memref<!tpu.dma_semaphore, #tpu.memory_space<semaphore_mem>>) src(%dma_wait3A_101 : memref<2000x128xf32, #tpu.memory_space<hbm>>) dst(%arg6 : memref<128x128xf32, #tpu.memory_space<vmem>>)
    %run_scoped3A_102 = arith.constant 0 : i32
    "tpu.region"() ({
      %run_scoped3A_165 = tpu.sem_alloc : memref<!tpu.dma_semaphore, #tpu.memory_space<semaphore_mem>>
      %dma_start3A_166 = arith.constant 0 : i32
      %dma_start3A_167 = tpu.memref_slice %arg10[%run_scoped3A_102, %dma_start3A_166] : memref<1x128xi32, #tpu.memory_space<vmem>> -> memref<1x128xi32, #tpu.memory_space<vmem>>
      %dma_start3A_168 = tpu.memref_squeeze %dma_start3A_167 : memref<1x128xi32, #tpu.memory_space<vmem>> -> memref<128xi32, #tpu.memory_space<vmem>>
      %dma_start3A_169 = arith.constant 0 : i32
      %dma_start3A_170 = arith.constant 0 : i32
      %dma_start3A_171 = tpu.memref_slice %arg13[%dma_start3A_169, %dma_start3A_170] : memref<2048x128xf32, #tpu.memory_space<vmem_shared>> -> memref<2048x128xf32, #tpu.memory_space<vmem_shared>>
      tpu.enqueue_indirect_dma source(%arg6 : memref<128x128xf32, #tpu.memory_space<vmem>>) target(%dma_start3A_171 : memref<2048x128xf32, #tpu.memory_space<vmem_shared>>) offsets(%dma_start3A_168 : memref<128xi32, #tpu.memory_space<vmem>>) semaphore(%run_scoped3A_165 : memref<!tpu.dma_semaphore, #tpu.memory_space<semaphore_mem>>) {add = true}
      %dma_wait3A_172 = arith.constant 0 : i32
      %dma_wait3A_173 = tpu.memref_slice %arg10[%run_scoped3A_102, %dma_wait3A_172] : memref<1x128xi32, #tpu.memory_space<vmem>> -> memref<1x128xi32, #tpu.memory_space<vmem>>
      %dma_wait3A_174 = tpu.memref_squeeze %dma_wait3A_173 : memref<1x128xi32, #tpu.memory_space<vmem>> -> memref<128xi32, #tpu.memory_space<vmem>>
      %dma_wait3A_175 = arith.constant 0 : i32
      %dma_wait3A_176 = arith.constant 0 : i32
      %dma_wait3A_177 = tpu.memref_slice %arg13[%dma_wait3A_175, %dma_wait3A_176] : memref<2048x128xf32, #tpu.memory_space<vmem_shared>> -> memref<2048x128xf32, #tpu.memory_space<vmem_shared>>
      tpu.wait_indirect_dma semaphore(%run_scoped3A_165 : memref<!tpu.dma_semaphore, #tpu.memory_space<semaphore_mem>>) src(%arg6 : memref<128x128xf32, #tpu.memory_space<vmem>>) dst(%dma_wait3A_177 : memref<2048x128xf32, #tpu.memory_space<vmem_shared>>)
      tpu.yield
    }) : () -> ()
    %add3A_103 = arith.constant 640 : i32
    %add3A_104 = arith.addi %mul3A_10, %add3A_103 : i32
    %run_scoped3A_105 = arith.constant 0 : i32
    "tpu.region"() ({
      %run_scoped3A_165 = tpu.sem_alloc : memref<!tpu.dma_semaphore, #tpu.memory_space<semaphore_mem>>
      %dma_start3A_166 = arith.constant 0 : i32
      %dma_start3A_167 = tpu.memref_slice %arg8[%run_scoped3A_105, %dma_start3A_166] : memref<1x128xi32, #tpu.memory_space<vmem>> -> memref<1x128xi32, #tpu.memory_space<vmem>>
      %dma_start3A_168 = tpu.memref_squeeze %dma_start3A_167 : memref<1x128xi32, #tpu.memory_space<vmem>> -> memref<128xi32, #tpu.memory_space<vmem>>
      %dma_start3A_169 = tpu.memref_slice %arg3[%add3A_104] : memref<32000xi32, #tpu.memory_space<hbm>> -> memref<128xi32, #tpu.memory_space<hbm>>
      %dma_start3A_170 = arith.constant 0 : i32
      %dma_start3A_171 = tpu.memref_slice %arg8[%run_scoped3A_105, %dma_start3A_170] : memref<1x128xi32, #tpu.memory_space<vmem>> -> memref<1x128xi32, #tpu.memory_space<vmem>>
      %dma_start3A_172 = tpu.memref_squeeze %dma_start3A_171 : memref<1x128xi32, #tpu.memory_space<vmem>> -> memref<128xi32, #tpu.memory_space<vmem>>
      %dma_start3A_173 = tpu.memref_slice %arg3[%add3A_104] : memref<32000xi32, #tpu.memory_space<hbm>> -> memref<128xi32, #tpu.memory_space<hbm>>
      tpu.enqueue_dma source(%dma_start3A_173 : memref<128xi32, #tpu.memory_space<hbm>>) target(%dma_start3A_172 : memref<128xi32, #tpu.memory_space<vmem>>) target_semaphore(%run_scoped3A_165 : memref<!tpu.dma_semaphore, #tpu.memory_space<semaphore_mem>>)
      %dma_wait3A_174 = arith.constant 0 : i32
      %dma_wait3A_175 = tpu.memref_slice %arg8[%run_scoped3A_105, %dma_wait3A_174] : memref<1x128xi32, #tpu.memory_space<vmem>> -> memref<1x128xi32, #tpu.memory_space<vmem>>
      %dma_wait3A_176 = tpu.memref_squeeze %dma_wait3A_175 : memref<1x128xi32, #tpu.memory_space<vmem>> -> memref<128xi32, #tpu.memory_space<vmem>>
      %dma_wait3A_177 = tpu.memref_slice %arg3[%add3A_104] : memref<32000xi32, #tpu.memory_space<hbm>> -> memref<128xi32, #tpu.memory_space<hbm>>
      %dma_wait3A_178 = arith.constant 0 : i32
      %dma_wait3A_179 = tpu.memref_slice %arg8[%run_scoped3A_105, %dma_wait3A_178] : memref<1x128xi32, #tpu.memory_space<vmem>> -> memref<1x128xi32, #tpu.memory_space<vmem>>
      %dma_wait3A_180 = tpu.memref_squeeze %dma_wait3A_179 : memref<1x128xi32, #tpu.memory_space<vmem>> -> memref<128xi32, #tpu.memory_space<vmem>>
      %dma_wait3A_181 = tpu.memref_slice %arg3[%add3A_104] : memref<32000xi32, #tpu.memory_space<hbm>> -> memref<128xi32, #tpu.memory_space<hbm>>
      tpu.wait_dma2 semaphore(%run_scoped3A_165 : memref<!tpu.dma_semaphore, #tpu.memory_space<semaphore_mem>>) src(%dma_wait3A_181 : memref<128xi32, #tpu.memory_space<hbm>>) dst(%dma_wait3A_180 : memref<128xi32, #tpu.memory_space<vmem>>)
      tpu.yield
    }) : () -> ()
    %run_scoped3A_106 = arith.constant 0 : i32
    "tpu.region"() ({
      %run_scoped3A_165 = tpu.sem_alloc : memref<!tpu.dma_semaphore, #tpu.memory_space<semaphore_mem>>
      %dma_start3A_166 = arith.constant 0 : i32
      %dma_start3A_167 = tpu.memref_slice %arg10[%run_scoped3A_106, %dma_start3A_166] : memref<1x128xi32, #tpu.memory_space<vmem>> -> memref<1x128xi32, #tpu.memory_space<vmem>>
      %dma_start3A_168 = tpu.memref_squeeze %dma_start3A_167 : memref<1x128xi32, #tpu.memory_space<vmem>> -> memref<128xi32, #tpu.memory_space<vmem>>
      %dma_start3A_169 = tpu.memref_slice %arg4[%add3A_104] : memref<32000xi32, #tpu.memory_space<hbm>> -> memref<128xi32, #tpu.memory_space<hbm>>
      %dma_start3A_170 = arith.constant 0 : i32
      %dma_start3A_171 = tpu.memref_slice %arg10[%run_scoped3A_106, %dma_start3A_170] : memref<1x128xi32, #tpu.memory_space<vmem>> -> memref<1x128xi32, #tpu.memory_space<vmem>>
      %dma_start3A_172 = tpu.memref_squeeze %dma_start3A_171 : memref<1x128xi32, #tpu.memory_space<vmem>> -> memref<128xi32, #tpu.memory_space<vmem>>
      %dma_start3A_173 = tpu.memref_slice %arg4[%add3A_104] : memref<32000xi32, #tpu.memory_space<hbm>> -> memref<128xi32, #tpu.memory_space<hbm>>
      tpu.enqueue_dma source(%dma_start3A_173 : memref<128xi32, #tpu.memory_space<hbm>>) target(%dma_start3A_172 : memref<128xi32, #tpu.memory_space<vmem>>) target_semaphore(%run_scoped3A_165 : memref<!tpu.dma_semaphore, #tpu.memory_space<semaphore_mem>>)
      %dma_wait3A_174 = arith.constant 0 : i32
      %dma_wait3A_175 = tpu.memref_slice %arg10[%run_scoped3A_106, %dma_wait3A_174] : memref<1x128xi32, #tpu.memory_space<vmem>> -> memref<1x128xi32, #tpu.memory_space<vmem>>
      %dma_wait3A_176 = tpu.memref_squeeze %dma_wait3A_175 : memref<1x128xi32, #tpu.memory_space<vmem>> -> memref<128xi32, #tpu.memory_space<vmem>>
      %dma_wait3A_177 = tpu.memref_slice %arg4[%add3A_104] : memref<32000xi32, #tpu.memory_space<hbm>> -> memref<128xi32, #tpu.memory_space<hbm>>
      %dma_wait3A_178 = arith.constant 0 : i32
      %dma_wait3A_179 = tpu.memref_slice %arg10[%run_scoped3A_106, %dma_wait3A_178] : memref<1x128xi32, #tpu.memory_space<vmem>> -> memref<1x128xi32, #tpu.memory_space<vmem>>
      %dma_wait3A_180 = tpu.memref_squeeze %dma_wait3A_179 : memref<1x128xi32, #tpu.memory_space<vmem>> -> memref<128xi32, #tpu.memory_space<vmem>>
      %dma_wait3A_181 = tpu.memref_slice %arg4[%add3A_104] : memref<32000xi32, #tpu.memory_space<hbm>> -> memref<128xi32, #tpu.memory_space<hbm>>
      tpu.wait_dma2 semaphore(%run_scoped3A_165 : memref<!tpu.dma_semaphore, #tpu.memory_space<semaphore_mem>>) src(%dma_wait3A_181 : memref<128xi32, #tpu.memory_space<hbm>>) dst(%dma_wait3A_180 : memref<128xi32, #tpu.memory_space<vmem>>)
      tpu.yield
    }) : () -> ()
    %dma_start3A_107 = arith.constant 0 : i32
    %dma_start3A_108 = arith.constant 0 : i32
    %dma_start3A_109 = tpu.memref_slice %arg8[%dma_start3A_107, %dma_start3A_108] : memref<1x128xi32, #tpu.memory_space<vmem>> -> memref<1x128xi32, #tpu.memory_space<vmem>>
    %dma_start3A_110 = tpu.memref_squeeze %dma_start3A_109 : memref<1x128xi32, #tpu.memory_space<vmem>> -> memref<128xi32, #tpu.memory_space<vmem>>
    %dma_start3A_111 = arith.constant 0 : i32
    %dma_start3A_112 = arith.constant 0 : i32
    %dma_start3A_113 = tpu.memref_slice %arg2[%dma_start3A_111, %dma_start3A_112] : memref<2000x128xf32, #tpu.memory_space<hbm>> -> memref<2000x128xf32, #tpu.memory_space<hbm>>
    tpu.enqueue_indirect_dma source(%dma_start3A_113 : memref<2000x128xf32, #tpu.memory_space<hbm>>) target(%arg6 : memref<128x128xf32, #tpu.memory_space<vmem>>) offsets(%dma_start3A_110 : memref<128xi32, #tpu.memory_space<vmem>>) semaphore(%arg14 : memref<!tpu.dma_semaphore, #tpu.memory_space<semaphore_mem>>)
    %dma_wait3A_114 = arith.constant 0 : i32
    %dma_wait3A_115 = arith.constant 0 : i32
    %dma_wait3A_116 = tpu.memref_slice %arg8[%dma_wait3A_114, %dma_wait3A_115] : memref<1x128xi32, #tpu.memory_space<vmem>> -> memref<1x128xi32, #tpu.memory_space<vmem>>
    %dma_wait3A_117 = tpu.memref_squeeze %dma_wait3A_116 : memref<1x128xi32, #tpu.memory_space<vmem>> -> memref<128xi32, #tpu.memory_space<vmem>>
    %dma_wait3A_118 = arith.constant 0 : i32
    %dma_wait3A_119 = arith.constant 0 : i32
    %dma_wait3A_120 = tpu.memref_slice %arg2[%dma_wait3A_118, %dma_wait3A_119] : memref<2000x128xf32, #tpu.memory_space<hbm>> -> memref<2000x128xf32, #tpu.memory_space<hbm>>
    tpu.wait_indirect_dma semaphore(%arg14 : memref<!tpu.dma_semaphore, #tpu.memory_space<semaphore_mem>>) src(%dma_wait3A_120 : memref<2000x128xf32, #tpu.memory_space<hbm>>) dst(%arg6 : memref<128x128xf32, #tpu.memory_space<vmem>>)
    %run_scoped3A_121 = arith.constant 0 : i32
    "tpu.region"() ({
      %run_scoped3A_165 = tpu.sem_alloc : memref<!tpu.dma_semaphore, #tpu.memory_space<semaphore_mem>>
      %dma_start3A_166 = arith.constant 0 : i32
      %dma_start3A_167 = tpu.memref_slice %arg10[%run_scoped3A_121, %dma_start3A_166] : memref<1x128xi32, #tpu.memory_space<vmem>> -> memref<1x128xi32, #tpu.memory_space<vmem>>
      %dma_start3A_168 = tpu.memref_squeeze %dma_start3A_167 : memref<1x128xi32, #tpu.memory_space<vmem>> -> memref<128xi32, #tpu.memory_space<vmem>>
      %dma_start3A_169 = arith.constant 0 : i32
      %dma_start3A_170 = arith.constant 0 : i32
      %dma_start3A_171 = tpu.memref_slice %arg13[%dma_start3A_169, %dma_start3A_170] : memref<2048x128xf32, #tpu.memory_space<vmem_shared>> -> memref<2048x128xf32, #tpu.memory_space<vmem_shared>>
      tpu.enqueue_indirect_dma source(%arg6 : memref<128x128xf32, #tpu.memory_space<vmem>>) target(%dma_start3A_171 : memref<2048x128xf32, #tpu.memory_space<vmem_shared>>) offsets(%dma_start3A_168 : memref<128xi32, #tpu.memory_space<vmem>>) semaphore(%run_scoped3A_165 : memref<!tpu.dma_semaphore, #tpu.memory_space<semaphore_mem>>) {add = true}
      %dma_wait3A_172 = arith.constant 0 : i32
      %dma_wait3A_173 = tpu.memref_slice %arg10[%run_scoped3A_121, %dma_wait3A_172] : memref<1x128xi32, #tpu.memory_space<vmem>> -> memref<1x128xi32, #tpu.memory_space<vmem>>
      %dma_wait3A_174 = tpu.memref_squeeze %dma_wait3A_173 : memref<1x128xi32, #tpu.memory_space<vmem>> -> memref<128xi32, #tpu.memory_space<vmem>>
      %dma_wait3A_175 = arith.constant 0 : i32
      %dma_wait3A_176 = arith.constant 0 : i32
      %dma_wait3A_177 = tpu.memref_slice %arg13[%dma_wait3A_175, %dma_wait3A_176] : memref<2048x128xf32, #tpu.memory_space<vmem_shared>> -> memref<2048x128xf32, #tpu.memory_space<vmem_shared>>
      tpu.wait_indirect_dma semaphore(%run_scoped3A_165 : memref<!tpu.dma_semaphore, #tpu.memory_space<semaphore_mem>>) src(%arg6 : memref<128x128xf32, #tpu.memory_space<vmem>>) dst(%dma_wait3A_177 : memref<2048x128xf32, #tpu.memory_space<vmem_shared>>)
      tpu.yield
    }) : () -> ()
    %add3A_122 = arith.constant 768 : i32
    %add3A_123 = arith.addi %mul3A_10, %add3A_122 : i32
    %run_scoped3A_124 = arith.constant 0 : i32
    "tpu.region"() ({
      %run_scoped3A_165 = tpu.sem_alloc : memref<!tpu.dma_semaphore, #tpu.memory_space<semaphore_mem>>
      %dma_start3A_166 = arith.constant 0 : i32
      %dma_start3A_167 = tpu.memref_slice %arg8[%run_scoped3A_124, %dma_start3A_166] : memref<1x128xi32, #tpu.memory_space<vmem>> -> memref<1x128xi32, #tpu.memory_space<vmem>>
      %dma_start3A_168 = tpu.memref_squeeze %dma_start3A_167 : memref<1x128xi32, #tpu.memory_space<vmem>> -> memref<128xi32, #tpu.memory_space<vmem>>
      %dma_start3A_169 = tpu.memref_slice %arg3[%add3A_123] : memref<32000xi32, #tpu.memory_space<hbm>> -> memref<128xi32, #tpu.memory_space<hbm>>
      %dma_start3A_170 = arith.constant 0 : i32
      %dma_start3A_171 = tpu.memref_slice %arg8[%run_scoped3A_124, %dma_start3A_170] : memref<1x128xi32, #tpu.memory_space<vmem>> -> memref<1x128xi32, #tpu.memory_space<vmem>>
      %dma_start3A_172 = tpu.memref_squeeze %dma_start3A_171 : memref<1x128xi32, #tpu.memory_space<vmem>> -> memref<128xi32, #tpu.memory_space<vmem>>
      %dma_start3A_173 = tpu.memref_slice %arg3[%add3A_123] : memref<32000xi32, #tpu.memory_space<hbm>> -> memref<128xi32, #tpu.memory_space<hbm>>
      tpu.enqueue_dma source(%dma_start3A_173 : memref<128xi32, #tpu.memory_space<hbm>>) target(%dma_start3A_172 : memref<128xi32, #tpu.memory_space<vmem>>) target_semaphore(%run_scoped3A_165 : memref<!tpu.dma_semaphore, #tpu.memory_space<semaphore_mem>>)
      %dma_wait3A_174 = arith.constant 0 : i32
      %dma_wait3A_175 = tpu.memref_slice %arg8[%run_scoped3A_124, %dma_wait3A_174] : memref<1x128xi32, #tpu.memory_space<vmem>> -> memref<1x128xi32, #tpu.memory_space<vmem>>
      %dma_wait3A_176 = tpu.memref_squeeze %dma_wait3A_175 : memref<1x128xi32, #tpu.memory_space<vmem>> -> memref<128xi32, #tpu.memory_space<vmem>>
      %dma_wait3A_177 = tpu.memref_slice %arg3[%add3A_123] : memref<32000xi32, #tpu.memory_space<hbm>> -> memref<128xi32, #tpu.memory_space<hbm>>
      %dma_wait3A_178 = arith.constant 0 : i32
      %dma_wait3A_179 = tpu.memref_slice %arg8[%run_scoped3A_124, %dma_wait3A_178] : memref<1x128xi32, #tpu.memory_space<vmem>> -> memref<1x128xi32, #tpu.memory_space<vmem>>
      %dma_wait3A_180 = tpu.memref_squeeze %dma_wait3A_179 : memref<1x128xi32, #tpu.memory_space<vmem>> -> memref<128xi32, #tpu.memory_space<vmem>>
      %dma_wait3A_181 = tpu.memref_slice %arg3[%add3A_123] : memref<32000xi32, #tpu.memory_space<hbm>> -> memref<128xi32, #tpu.memory_space<hbm>>
      tpu.wait_dma2 semaphore(%run_scoped3A_165 : memref<!tpu.dma_semaphore, #tpu.memory_space<semaphore_mem>>) src(%dma_wait3A_181 : memref<128xi32, #tpu.memory_space<hbm>>) dst(%dma_wait3A_180 : memref<128xi32, #tpu.memory_space<vmem>>)
      tpu.yield
    }) : () -> ()
    %run_scoped3A_125 = arith.constant 0 : i32
    "tpu.region"() ({
      %run_scoped3A_165 = tpu.sem_alloc : memref<!tpu.dma_semaphore, #tpu.memory_space<semaphore_mem>>
      %dma_start3A_166 = arith.constant 0 : i32
      %dma_start3A_167 = tpu.memref_slice %arg10[%run_scoped3A_125, %dma_start3A_166] : memref<1x128xi32, #tpu.memory_space<vmem>> -> memref<1x128xi32, #tpu.memory_space<vmem>>
      %dma_start3A_168 = tpu.memref_squeeze %dma_start3A_167 : memref<1x128xi32, #tpu.memory_space<vmem>> -> memref<128xi32, #tpu.memory_space<vmem>>
      %dma_start3A_169 = tpu.memref_slice %arg4[%add3A_123] : memref<32000xi32, #tpu.memory_space<hbm>> -> memref<128xi32, #tpu.memory_space<hbm>>
      %dma_start3A_170 = arith.constant 0 : i32
      %dma_start3A_171 = tpu.memref_slice %arg10[%run_scoped3A_125, %dma_start3A_170] : memref<1x128xi32, #tpu.memory_space<vmem>> -> memref<1x128xi32, #tpu.memory_space<vmem>>
      %dma_start3A_172 = tpu.memref_squeeze %dma_start3A_171 : memref<1x128xi32, #tpu.memory_space<vmem>> -> memref<128xi32, #tpu.memory_space<vmem>>
      %dma_start3A_173 = tpu.memref_slice %arg4[%add3A_123] : memref<32000xi32, #tpu.memory_space<hbm>> -> memref<128xi32, #tpu.memory_space<hbm>>
      tpu.enqueue_dma source(%dma_start3A_173 : memref<128xi32, #tpu.memory_space<hbm>>) target(%dma_start3A_172 : memref<128xi32, #tpu.memory_space<vmem>>) target_semaphore(%run_scoped3A_165 : memref<!tpu.dma_semaphore, #tpu.memory_space<semaphore_mem>>)
      %dma_wait3A_174 = arith.constant 0 : i32
      %dma_wait3A_175 = tpu.memref_slice %arg10[%run_scoped3A_125, %dma_wait3A_174] : memref<1x128xi32, #tpu.memory_space<vmem>> -> memref<1x128xi32, #tpu.memory_space<vmem>>
      %dma_wait3A_176 = tpu.memref_squeeze %dma_wait3A_175 : memref<1x128xi32, #tpu.memory_space<vmem>> -> memref<128xi32, #tpu.memory_space<vmem>>
      %dma_wait3A_177 = tpu.memref_slice %arg4[%add3A_123] : memref<32000xi32, #tpu.memory_space<hbm>> -> memref<128xi32, #tpu.memory_space<hbm>>
      %dma_wait3A_178 = arith.constant 0 : i32
      %dma_wait3A_179 = tpu.memref_slice %arg10[%run_scoped3A_125, %dma_wait3A_178] : memref<1x128xi32, #tpu.memory_space<vmem>> -> memref<1x128xi32, #tpu.memory_space<vmem>>
      %dma_wait3A_180 = tpu.memref_squeeze %dma_wait3A_179 : memref<1x128xi32, #tpu.memory_space<vmem>> -> memref<128xi32, #tpu.memory_space<vmem>>
      %dma_wait3A_181 = tpu.memref_slice %arg4[%add3A_123] : memref<32000xi32, #tpu.memory_space<hbm>> -> memref<128xi32, #tpu.memory_space<hbm>>
      tpu.wait_dma2 semaphore(%run_scoped3A_165 : memref<!tpu.dma_semaphore, #tpu.memory_space<semaphore_mem>>) src(%dma_wait3A_181 : memref<128xi32, #tpu.memory_space<hbm>>) dst(%dma_wait3A_180 : memref<128xi32, #tpu.memory_space<vmem>>)
      tpu.yield
    }) : () -> ()
    %dma_start3A_126 = arith.constant 0 : i32
    %dma_start3A_127 = arith.constant 0 : i32
    %dma_start3A_128 = tpu.memref_slice %arg8[%dma_start3A_126, %dma_start3A_127] : memref<1x128xi32, #tpu.memory_space<vmem>> -> memref<1x128xi32, #tpu.memory_space<vmem>>
    %dma_start3A_129 = tpu.memref_squeeze %dma_start3A_128 : memref<1x128xi32, #tpu.memory_space<vmem>> -> memref<128xi32, #tpu.memory_space<vmem>>
    %dma_start3A_130 = arith.constant 0 : i32
    %dma_start3A_131 = arith.constant 0 : i32
    %dma_start3A_132 = tpu.memref_slice %arg2[%dma_start3A_130, %dma_start3A_131] : memref<2000x128xf32, #tpu.memory_space<hbm>> -> memref<2000x128xf32, #tpu.memory_space<hbm>>
    tpu.enqueue_indirect_dma source(%dma_start3A_132 : memref<2000x128xf32, #tpu.memory_space<hbm>>) target(%arg6 : memref<128x128xf32, #tpu.memory_space<vmem>>) offsets(%dma_start3A_129 : memref<128xi32, #tpu.memory_space<vmem>>) semaphore(%arg14 : memref<!tpu.dma_semaphore, #tpu.memory_space<semaphore_mem>>)
    %dma_wait3A_133 = arith.constant 0 : i32
    %dma_wait3A_134 = arith.constant 0 : i32
    %dma_wait3A_135 = tpu.memref_slice %arg8[%dma_wait3A_133, %dma_wait3A_134] : memref<1x128xi32, #tpu.memory_space<vmem>> -> memref<1x128xi32, #tpu.memory_space<vmem>>
    %dma_wait3A_136 = tpu.memref_squeeze %dma_wait3A_135 : memref<1x128xi32, #tpu.memory_space<vmem>> -> memref<128xi32, #tpu.memory_space<vmem>>
    %dma_wait3A_137 = arith.constant 0 : i32
    %dma_wait3A_138 = arith.constant 0 : i32
    %dma_wait3A_139 = tpu.memref_slice %arg2[%dma_wait3A_137, %dma_wait3A_138] : memref<2000x128xf32, #tpu.memory_space<hbm>> -> memref<2000x128xf32, #tpu.memory_space<hbm>>
    tpu.wait_indirect_dma semaphore(%arg14 : memref<!tpu.dma_semaphore, #tpu.memory_space<semaphore_mem>>) src(%dma_wait3A_139 : memref<2000x128xf32, #tpu.memory_space<hbm>>) dst(%arg6 : memref<128x128xf32, #tpu.memory_space<vmem>>)
    %run_scoped3A_140 = arith.constant 0 : i32
    "tpu.region"() ({
      %run_scoped3A_165 = tpu.sem_alloc : memref<!tpu.dma_semaphore, #tpu.memory_space<semaphore_mem>>
      %dma_start3A_166 = arith.constant 0 : i32
      %dma_start3A_167 = tpu.memref_slice %arg10[%run_scoped3A_140, %dma_start3A_166] : memref<1x128xi32, #tpu.memory_space<vmem>> -> memref<1x128xi32, #tpu.memory_space<vmem>>
      %dma_start3A_168 = tpu.memref_squeeze %dma_start3A_167 : memref<1x128xi32, #tpu.memory_space<vmem>> -> memref<128xi32, #tpu.memory_space<vmem>>
      %dma_start3A_169 = arith.constant 0 : i32
      %dma_start3A_170 = arith.constant 0 : i32
      %dma_start3A_171 = tpu.memref_slice %arg13[%dma_start3A_169, %dma_start3A_170] : memref<2048x128xf32, #tpu.memory_space<vmem_shared>> -> memref<2048x128xf32, #tpu.memory_space<vmem_shared>>
      tpu.enqueue_indirect_dma source(%arg6 : memref<128x128xf32, #tpu.memory_space<vmem>>) target(%dma_start3A_171 : memref<2048x128xf32, #tpu.memory_space<vmem_shared>>) offsets(%dma_start3A_168 : memref<128xi32, #tpu.memory_space<vmem>>) semaphore(%run_scoped3A_165 : memref<!tpu.dma_semaphore, #tpu.memory_space<semaphore_mem>>) {add = true}
      %dma_wait3A_172 = arith.constant 0 : i32
      %dma_wait3A_173 = tpu.memref_slice %arg10[%run_scoped3A_140, %dma_wait3A_172] : memref<1x128xi32, #tpu.memory_space<vmem>> -> memref<1x128xi32, #tpu.memory_space<vmem>>
      %dma_wait3A_174 = tpu.memref_squeeze %dma_wait3A_173 : memref<1x128xi32, #tpu.memory_space<vmem>> -> memref<128xi32, #tpu.memory_space<vmem>>
      %dma_wait3A_175 = arith.constant 0 : i32
      %dma_wait3A_176 = arith.constant 0 : i32
      %dma_wait3A_177 = tpu.memref_slice %arg13[%dma_wait3A_175, %dma_wait3A_176] : memref<2048x128xf32, #tpu.memory_space<vmem_shared>> -> memref<2048x128xf32, #tpu.memory_space<vmem_shared>>
      tpu.wait_indirect_dma semaphore(%run_scoped3A_165 : memref<!tpu.dma_semaphore, #tpu.memory_space<semaphore_mem>>) src(%arg6 : memref<128x128xf32, #tpu.memory_space<vmem>>) dst(%dma_wait3A_177 : memref<2048x128xf32, #tpu.memory_space<vmem_shared>>)
      tpu.yield
    }) : () -> ()
    %add3A_141 = arith.constant 896 : i32
    %add3A_142 = arith.addi %mul3A_10, %add3A_141 : i32
    %run_scoped3A_143 = arith.constant 0 : i32
    "tpu.region"() ({
      %run_scoped3A_165 = tpu.sem_alloc : memref<!tpu.dma_semaphore, #tpu.memory_space<semaphore_mem>>
      %dma_start3A_166 = arith.constant 0 : i32
      %dma_start3A_167 = tpu.memref_slice %arg9[%run_scoped3A_143, %dma_start3A_166] : memref<1x104xi32, #tpu.memory_space<vmem>> -> memref<1x104xi32, #tpu.memory_space<vmem>>
      %dma_start3A_168 = tpu.memref_squeeze %dma_start3A_167 : memref<1x104xi32, #tpu.memory_space<vmem>> -> memref<104xi32, #tpu.memory_space<vmem>>
      %dma_start3A_169 = tpu.memref_slice %arg3[%add3A_142] : memref<32000xi32, #tpu.memory_space<hbm>> -> memref<104xi32, #tpu.memory_space<hbm>>
      %dma_start3A_170 = arith.constant 0 : i32
      %dma_start3A_171 = tpu.memref_slice %arg9[%run_scoped3A_143, %dma_start3A_170] : memref<1x104xi32, #tpu.memory_space<vmem>> -> memref<1x104xi32, #tpu.memory_space<vmem>>
      %dma_start3A_172 = tpu.memref_squeeze %dma_start3A_171 : memref<1x104xi32, #tpu.memory_space<vmem>> -> memref<104xi32, #tpu.memory_space<vmem>>
      %dma_start3A_173 = tpu.memref_slice %arg3[%add3A_142] : memref<32000xi32, #tpu.memory_space<hbm>> -> memref<104xi32, #tpu.memory_space<hbm>>
      tpu.enqueue_dma source(%dma_start3A_173 : memref<104xi32, #tpu.memory_space<hbm>>) target(%dma_start3A_172 : memref<104xi32, #tpu.memory_space<vmem>>) target_semaphore(%run_scoped3A_165 : memref<!tpu.dma_semaphore, #tpu.memory_space<semaphore_mem>>)
      %dma_wait3A_174 = arith.constant 0 : i32
      %dma_wait3A_175 = tpu.memref_slice %arg9[%run_scoped3A_143, %dma_wait3A_174] : memref<1x104xi32, #tpu.memory_space<vmem>> -> memref<1x104xi32, #tpu.memory_space<vmem>>
      %dma_wait3A_176 = tpu.memref_squeeze %dma_wait3A_175 : memref<1x104xi32, #tpu.memory_space<vmem>> -> memref<104xi32, #tpu.memory_space<vmem>>
      %dma_wait3A_177 = tpu.memref_slice %arg3[%add3A_142] : memref<32000xi32, #tpu.memory_space<hbm>> -> memref<104xi32, #tpu.memory_space<hbm>>
      %dma_wait3A_178 = arith.constant 0 : i32
      %dma_wait3A_179 = tpu.memref_slice %arg9[%run_scoped3A_143, %dma_wait3A_178] : memref<1x104xi32, #tpu.memory_space<vmem>> -> memref<1x104xi32, #tpu.memory_space<vmem>>
      %dma_wait3A_180 = tpu.memref_squeeze %dma_wait3A_179 : memref<1x104xi32, #tpu.memory_space<vmem>> -> memref<104xi32, #tpu.memory_space<vmem>>
      %dma_wait3A_181 = tpu.memref_slice %arg3[%add3A_142] : memref<32000xi32, #tpu.memory_space<hbm>> -> memref<104xi32, #tpu.memory_space<hbm>>
      tpu.wait_dma2 semaphore(%run_scoped3A_165 : memref<!tpu.dma_semaphore, #tpu.memory_space<semaphore_mem>>) src(%dma_wait3A_181 : memref<104xi32, #tpu.memory_space<hbm>>) dst(%dma_wait3A_180 : memref<104xi32, #tpu.memory_space<vmem>>)
      tpu.yield
    }) : () -> ()
    %run_scoped3A_144 = arith.constant 0 : i32
    "tpu.region"() ({
      %run_scoped3A_165 = tpu.sem_alloc : memref<!tpu.dma_semaphore, #tpu.memory_space<semaphore_mem>>
      %dma_start3A_166 = arith.constant 0 : i32
      %dma_start3A_167 = tpu.memref_slice %arg11[%run_scoped3A_144, %dma_start3A_166] : memref<1x104xi32, #tpu.memory_space<vmem>> -> memref<1x104xi32, #tpu.memory_space<vmem>>
      %dma_start3A_168 = tpu.memref_squeeze %dma_start3A_167 : memref<1x104xi32, #tpu.memory_space<vmem>> -> memref<104xi32, #tpu.memory_space<vmem>>
      %dma_start3A_169 = tpu.memref_slice %arg4[%add3A_142] : memref<32000xi32, #tpu.memory_space<hbm>> -> memref<104xi32, #tpu.memory_space<hbm>>
      %dma_start3A_170 = arith.constant 0 : i32
      %dma_start3A_171 = tpu.memref_slice %arg11[%run_scoped3A_144, %dma_start3A_170] : memref<1x104xi32, #tpu.memory_space<vmem>> -> memref<1x104xi32, #tpu.memory_space<vmem>>
      %dma_start3A_172 = tpu.memref_squeeze %dma_start3A_171 : memref<1x104xi32, #tpu.memory_space<vmem>> -> memref<104xi32, #tpu.memory_space<vmem>>
      %dma_start3A_173 = tpu.memref_slice %arg4[%add3A_142] : memref<32000xi32, #tpu.memory_space<hbm>> -> memref<104xi32, #tpu.memory_space<hbm>>
      tpu.enqueue_dma source(%dma_start3A_173 : memref<104xi32, #tpu.memory_space<hbm>>) target(%dma_start3A_172 : memref<104xi32, #tpu.memory_space<vmem>>) target_semaphore(%run_scoped3A_165 : memref<!tpu.dma_semaphore, #tpu.memory_space<semaphore_mem>>)
      %dma_wait3A_174 = arith.constant 0 : i32
      %dma_wait3A_175 = tpu.memref_slice %arg11[%run_scoped3A_144, %dma_wait3A_174] : memref<1x104xi32, #tpu.memory_space<vmem>> -> memref<1x104xi32, #tpu.memory_space<vmem>>
      %dma_wait3A_176 = tpu.memref_squeeze %dma_wait3A_175 : memref<1x104xi32, #tpu.memory_space<vmem>> -> memref<104xi32, #tpu.memory_space<vmem>>
      %dma_wait3A_177 = tpu.memref_slice %arg4[%add3A_142] : memref<32000xi32, #tpu.memory_space<hbm>> -> memref<104xi32, #tpu.memory_space<hbm>>
      %dma_wait3A_178 = arith.constant 0 : i32
      %dma_wait3A_179 = tpu.memref_slice %arg11[%run_scoped3A_144, %dma_wait3A_178] : memref<1x104xi32, #tpu.memory_space<vmem>> -> memref<1x104xi32, #tpu.memory_space<vmem>>
      %dma_wait3A_180 = tpu.memref_squeeze %dma_wait3A_179 : memref<1x104xi32, #tpu.memory_space<vmem>> -> memref<104xi32, #tpu.memory_space<vmem>>
      %dma_wait3A_181 = tpu.memref_slice %arg4[%add3A_142] : memref<32000xi32, #tpu.memory_space<hbm>> -> memref<104xi32, #tpu.memory_space<hbm>>
      tpu.wait_dma2 semaphore(%run_scoped3A_165 : memref<!tpu.dma_semaphore, #tpu.memory_space<semaphore_mem>>) src(%dma_wait3A_181 : memref<104xi32, #tpu.memory_space<hbm>>) dst(%dma_wait3A_180 : memref<104xi32, #tpu.memory_space<vmem>>)
      tpu.yield
    }) : () -> ()
    %dma_start3A_145 = arith.constant 0 : i32
    %dma_start3A_146 = arith.constant 0 : i32
    %dma_start3A_147 = tpu.memref_slice %arg9[%dma_start3A_145, %dma_start3A_146] : memref<1x104xi32, #tpu.memory_space<vmem>> -> memref<1x104xi32, #tpu.memory_space<vmem>>
    %dma_start3A_148 = tpu.memref_squeeze %dma_start3A_147 : memref<1x104xi32, #tpu.memory_space<vmem>> -> memref<104xi32, #tpu.memory_space<vmem>>
    %dma_start3A_149 = arith.constant 0 : i32
    %dma_start3A_150 = arith.constant 0 : i32
    %dma_start3A_151 = tpu.memref_slice %arg2[%dma_start3A_149, %dma_start3A_150] : memref<2000x128xf32, #tpu.memory_space<hbm>> -> memref<2000x128xf32, #tpu.memory_space<hbm>>
    tpu.enqueue_indirect_dma source(%dma_start3A_151 : memref<2000x128xf32, #tpu.memory_space<hbm>>) target(%arg7 : memref<104x128xf32, #tpu.memory_space<vmem>>) offsets(%dma_start3A_148 : memref<104xi32, #tpu.memory_space<vmem>>) semaphore(%arg14 : memref<!tpu.dma_semaphore, #tpu.memory_space<semaphore_mem>>)
    %dma_wait3A_152 = arith.constant 0 : i32
    %dma_wait3A_153 = arith.constant 0 : i32
    %dma_wait3A_154 = tpu.memref_slice %arg9[%dma_wait3A_152, %dma_wait3A_153] : memref<1x104xi32, #tpu.memory_space<vmem>> -> memref<1x104xi32, #tpu.memory_space<vmem>>
    %dma_wait3A_155 = tpu.memref_squeeze %dma_wait3A_154 : memref<1x104xi32, #tpu.memory_space<vmem>> -> memref<104xi32, #tpu.memory_space<vmem>>
    %dma_wait3A_156 = arith.constant 0 : i32
    %dma_wait3A_157 = arith.constant 0 : i32
    %dma_wait3A_158 = tpu.memref_slice %arg2[%dma_wait3A_156, %dma_wait3A_157] : memref<2000x128xf32, #tpu.memory_space<hbm>> -> memref<2000x128xf32, #tpu.memory_space<hbm>>
    tpu.wait_indirect_dma semaphore(%arg14 : memref<!tpu.dma_semaphore, #tpu.memory_space<semaphore_mem>>) src(%dma_wait3A_158 : memref<2000x128xf32, #tpu.memory_space<hbm>>) dst(%arg7 : memref<104x128xf32, #tpu.memory_space<vmem>>)
    %run_scoped3A_159 = arith.constant 0 : i32
    "tpu.region"() ({
      %run_scoped3A_165 = tpu.sem_alloc : memref<!tpu.dma_semaphore, #tpu.memory_space<semaphore_mem>>
      %dma_start3A_166 = arith.constant 0 : i32
      %dma_start3A_167 = tpu.memref_slice %arg11[%run_scoped3A_159, %dma_start3A_166] : memref<1x104xi32, #tpu.memory_space<vmem>> -> memref<1x104xi32, #tpu.memory_space<vmem>>
      %dma_start3A_168 = tpu.memref_squeeze %dma_start3A_167 : memref<1x104xi32, #tpu.memory_space<vmem>> -> memref<104xi32, #tpu.memory_space<vmem>>
      %dma_start3A_169 = arith.constant 0 : i32
      %dma_start3A_170 = arith.constant 0 : i32
      %dma_start3A_171 = tpu.memref_slice %arg13[%dma_start3A_169, %dma_start3A_170] : memref<2048x128xf32, #tpu.memory_space<vmem_shared>> -> memref<2048x128xf32, #tpu.memory_space<vmem_shared>>
      tpu.enqueue_indirect_dma source(%arg7 : memref<104x128xf32, #tpu.memory_space<vmem>>) target(%dma_start3A_171 : memref<2048x128xf32, #tpu.memory_space<vmem_shared>>) offsets(%dma_start3A_168 : memref<104xi32, #tpu.memory_space<vmem>>) semaphore(%run_scoped3A_165 : memref<!tpu.dma_semaphore, #tpu.memory_space<semaphore_mem>>) {add = true}
      %dma_wait3A_172 = arith.constant 0 : i32
      %dma_wait3A_173 = tpu.memref_slice %arg11[%run_scoped3A_159, %dma_wait3A_172] : memref<1x104xi32, #tpu.memory_space<vmem>> -> memref<1x104xi32, #tpu.memory_space<vmem>>
      %dma_wait3A_174 = tpu.memref_squeeze %dma_wait3A_173 : memref<1x104xi32, #tpu.memory_space<vmem>> -> memref<104xi32, #tpu.memory_space<vmem>>
      %dma_wait3A_175 = arith.constant 0 : i32
      %dma_wait3A_176 = arith.constant 0 : i32
      %dma_wait3A_177 = tpu.memref_slice %arg13[%dma_wait3A_175, %dma_wait3A_176] : memref<2048x128xf32, #tpu.memory_space<vmem_shared>> -> memref<2048x128xf32, #tpu.memory_space<vmem_shared>>
      tpu.wait_indirect_dma semaphore(%run_scoped3A_165 : memref<!tpu.dma_semaphore, #tpu.memory_space<semaphore_mem>>) src(%arg7 : memref<104x128xf32, #tpu.memory_space<vmem>>) dst(%dma_wait3A_177 : memref<2048x128xf32, #tpu.memory_space<vmem_shared>>)
      tpu.yield
    }) : () -> ()
    %barrier3A_160 = arith.constant 0 : index
    tpu.barrier barrier_id(%barrier3A_160)
    %mul3A_161 = arith.constant 128 : i32
    %mul3A_162 = arith.muli %arg1, %mul3A_161 : i32
    "tpu.region"() ({
      %run_scoped3A_165 = tpu.sem_alloc : memref<!tpu.dma_semaphore, #tpu.memory_space<semaphore_mem>>
      %dma_start3A_166 = arith.constant 0 : i32
      %dma_start3A_167 = tpu.memref_slice %arg13[%mul3A_162, %dma_start3A_166] : memref<2048x128xf32, #tpu.memory_space<vmem_shared>> -> memref<128x128xf32, #tpu.memory_space<vmem_shared>>
      %dma_start3A_168 = arith.constant 0 : i32
      %dma_start3A_169 = tpu.memref_slice %arg13[%mul3A_162, %dma_start3A_168] : memref<2048x128xf32, #tpu.memory_space<vmem_shared>> -> memref<128x128xf32, #tpu.memory_space<vmem_shared>>
      tpu.enqueue_dma source(%dma_start3A_169 : memref<128x128xf32, #tpu.memory_space<vmem_shared>>) target(%arg12 : memref<128x128xf32, #tpu.memory_space<vmem>>) target_semaphore(%run_scoped3A_165 : memref<!tpu.dma_semaphore, #tpu.memory_space<semaphore_mem>>)
      %dma_wait3A_170 = arith.constant 0 : i32
      %dma_wait3A_171 = tpu.memref_slice %arg13[%mul3A_162, %dma_wait3A_170] : memref<2048x128xf32, #tpu.memory_space<vmem_shared>> -> memref<128x128xf32, #tpu.memory_space<vmem_shared>>
      %dma_wait3A_172 = arith.constant 0 : i32
      %dma_wait3A_173 = tpu.memref_slice %arg13[%mul3A_162, %dma_wait3A_172] : memref<2048x128xf32, #tpu.memory_space<vmem_shared>> -> memref<128x128xf32, #tpu.memory_space<vmem_shared>>
      tpu.wait_dma2 semaphore(%run_scoped3A_165 : memref<!tpu.dma_semaphore, #tpu.memory_space<semaphore_mem>>) src(%dma_wait3A_173 : memref<128x128xf32, #tpu.memory_space<vmem_shared>>) dst(%arg12 : memref<128x128xf32, #tpu.memory_space<vmem>>)
      tpu.yield
    }) : () -> ()
    %mul3A_163 = arith.constant 128 : i32
    %mul3A_164 = arith.muli %arg1, %mul3A_163 : i32
    "tpu.region"() ({
      %run_scoped3A_165 = tpu.sem_alloc : memref<!tpu.dma_semaphore, #tpu.memory_space<semaphore_mem>>
      %dma_start3A_166 = arith.constant 0 : i32
      %dma_start3A_167 = tpu.memref_slice %arg5[%arg0, %mul3A_164, %dma_start3A_166] : memref<2x2048x128xf32, #tpu.memory_space<hbm>> -> memref<1x128x128xf32, #tpu.memory_space<hbm>>
      %dma_start3A_168 = tpu.memref_squeeze %dma_start3A_167 : memref<1x128x128xf32, #tpu.memory_space<hbm>> -> memref<128x128xf32, #tpu.memory_space<hbm>>
      %dma_start3A_169 = arith.constant 0 : i32
      %dma_start3A_170 = tpu.memref_slice %arg5[%arg0, %mul3A_164, %dma_start3A_169] : memref<2x2048x128xf32, #tpu.memory_space<hbm>> -> memref<1x128x128xf32, #tpu.memory_space<hbm>>
      %dma_start3A_171 = tpu.memref_squeeze %dma_start3A_170 : memref<1x128x128xf32, #tpu.memory_space<hbm>> -> memref<128x128xf32, #tpu.memory_space<hbm>>
      tpu.enqueue_dma source(%arg12 : memref<128x128xf32, #tpu.memory_space<vmem>>) target(%dma_start3A_171 : memref<128x128xf32, #tpu.memory_space<hbm>>) target_semaphore(%run_scoped3A_165 : memref<!tpu.dma_semaphore, #tpu.memory_space<semaphore_mem>>)
      %dma_wait3A_172 = arith.constant 0 : i32
      %dma_wait3A_173 = tpu.memref_slice %arg5[%arg0, %mul3A_164, %dma_wait3A_172] : memref<2x2048x128xf32, #tpu.memory_space<hbm>> -> memref<1x128x128xf32, #tpu.memory_space<hbm>>
      %dma_wait3A_174 = tpu.memref_squeeze %dma_wait3A_173 : memref<1x128x128xf32, #tpu.memory_space<hbm>> -> memref<128x128xf32, #tpu.memory_space<hbm>>
      %dma_wait3A_175 = arith.constant 0 : i32
      %dma_wait3A_176 = tpu.memref_slice %arg5[%arg0, %mul3A_164, %dma_wait3A_175] : memref<2x2048x128xf32, #tpu.memory_space<hbm>> -> memref<1x128x128xf32, #tpu.memory_space<hbm>>
      %dma_wait3A_177 = tpu.memref_squeeze %dma_wait3A_176 : memref<1x128x128xf32, #tpu.memory_space<hbm>> -> memref<128x128xf32, #tpu.memory_space<hbm>>
      tpu.wait_dma2 semaphore(%run_scoped3A_165 : memref<!tpu.dma_semaphore, #tpu.memory_space<semaphore_mem>>) src(%arg12 : memref<128x128xf32, #tpu.memory_space<vmem>>) dst(%dma_wait3A_177 : memref<128x128xf32, #tpu.memory_space<hbm>>)
      tpu.yield
    }) : () -> ()
    return
  }
}

module attributes {stable_mosaic.version = 14 : i64} {
  func.func @_b_body(%arg0: i32, %arg1: memref<16x64x128xf32, #tpu.memory_space<vmem>>, %arg2: memref<1x16x128xf32, #tpu.memory_space<vmem>>, %arg3: memref<1x16x128xf32, #tpu.memory_space<vmem>>, %arg4: memref<1024x1024xf32, #tpu.memory_space<vmem>>, %arg5: memref<128x512xbf16, #tpu.memory_space<vmem>>, %arg6: memref<1x512xf32, #tpu.memory_space<vmem>>, %arg7: memref<1x128xf32, #tpu.memory_space<vmem>>, %arg8: memref<1x128xf32, #tpu.memory_space<vmem>>, %arg9: memref<128x128xf32, #tpu.memory_space<vmem>>, %arg10: memref<1x128xf32, #tpu.memory_space<vmem>>, %arg11: memref<128x128xf32, #tpu.memory_space<vmem>>, %arg12: memref<1x128xf32, #tpu.memory_space<vmem>>, %arg13: memref<128x256xf32, #tpu.memory_space<vmem>>, %arg14: memref<1x256xf32, #tpu.memory_space<vmem>>, %arg15: memref<128x128xf32, #tpu.memory_space<vmem>>, %arg16: memref<1x128xf32, #tpu.memory_space<vmem>>, %arg17: memref<128x256xf32, #tpu.memory_space<vmem>>, %arg18: memref<1x256xf32, #tpu.memory_space<vmem>>, %arg19: memref<1x128xf32, #tpu.memory_space<vmem>>, %arg20: memref<1x128xf32, #tpu.memory_space<vmem>>, %arg21: memref<1x128xf32, #tpu.memory_space<vmem>>, %arg22: memref<1x128xf32, #tpu.memory_space<vmem>>, %arg23: memref<1x16x128xf32, #tpu.memory_space<vmem>>, %arg24: memref<16x64x128xf32, #tpu.memory_space<vmem>>) attributes {dimension_semantics = [#tpu.dimension_semantics<arbitrary>], iteration_bounds = array<i64: 125>, scalar_prefetch = 0 : i64, scratch_operands = 0 : i64, tpu.core_type = #tpu.core_type<tc>, window_params = [{transform_indices = @transform_0, window_bounds = array<i64: 16, 64, 128>}, {transform_indices = @transform_1, window_bounds = array<i64: 1, 16, 128>}, {transform_indices = @transform_2, window_bounds = array<i64: 1, 16, 128>}, {pipeline_mode = #tpu.pipeline_mode<synchronous>, transform_indices = @transform_3, window_bounds = array<i64: 1024, 1024>}, {pipeline_mode = #tpu.pipeline_mode<synchronous>, transform_indices = @transform_4, window_bounds = array<i64: 128, 512>}, {pipeline_mode = #tpu.pipeline_mode<synchronous>, transform_indices = @transform_5, window_bounds = array<i64: 1, 512>}, {pipeline_mode = #tpu.pipeline_mode<synchronous>, transform_indices = @transform_6, window_bounds = array<i64: 1, 128>}, {pipeline_mode = #tpu.pipeline_mode<synchronous>, transform_indices = @transform_7, window_bounds = array<i64: 1, 128>}, {pipeline_mode = #tpu.pipeline_mode<synchronous>, transform_indices = @transform_8, window_bounds = array<i64: 128, 128>}, {pipeline_mode = #tpu.pipeline_mode<synchronous>, transform_indices = @transform_9, window_bounds = array<i64: 1, 128>}, {pipeline_mode = #tpu.pipeline_mode<synchronous>, transform_indices = @transform_10, window_bounds = array<i64: 128, 128>}, {pipeline_mode = #tpu.pipeline_mode<synchronous>, transform_indices = @transform_11, window_bounds = array<i64: 1, 128>}, {pipeline_mode = #tpu.pipeline_mode<synchronous>, transform_indices = @transform_12, window_bounds = array<i64: 128, 256>}, {pipeline_mode = #tpu.pipeline_mode<synchronous>, transform_indices = @transform_13, window_bounds = array<i64: 1, 256>}, {pipeline_mode = #tpu.pipeline_mode<synchronous>, transform_indices = @transform_14, window_bounds = array<i64: 128, 128>}, {pipeline_mode = #tpu.pipeline_mode<synchronous>, transform_indices = @transform_15, window_bounds = array<i64: 1, 128>}, {pipeline_mode = #tpu.pipeline_mode<synchronous>, transform_indices = @transform_16, window_bounds = array<i64: 128, 256>}, {pipeline_mode = #tpu.pipeline_mode<synchronous>, transform_indices = @transform_17, window_bounds = array<i64: 1, 256>}, {pipeline_mode = #tpu.pipeline_mode<synchronous>, transform_indices = @transform_18, window_bounds = array<i64: 1, 128>}, {pipeline_mode = #tpu.pipeline_mode<synchronous>, transform_indices = @transform_19, window_bounds = array<i64: 1, 128>}, {pipeline_mode = #tpu.pipeline_mode<synchronous>, transform_indices = @transform_20, window_bounds = array<i64: 1, 128>}, {pipeline_mode = #tpu.pipeline_mode<synchronous>, transform_indices = @transform_21, window_bounds = array<i64: 1, 128>}, {transform_indices = @transform_22, window_bounds = array<i64: 1, 16, 128>}, {transform_indices = @transform_23, window_bounds = array<i64: 16, 64, 128>}]} {
    %get3A = arith.constant 0 : index
    %get3A_0 = arith.constant 0 : index
    %get3A_1 = arith.constant 0 : index
    %get3A_2 = vector.load %arg1[%get3A, %get3A_0, %get3A_1] : memref<16x64x128xf32, #tpu.memory_space<vmem>>, vector<16x64x128xf32>
    %reshape3A = vector.shape_cast %get3A_2 : vector<16x64x128xf32> to vector<1024x128xf32>
    %convert_element_type3A = arith.truncf %reshape3A : vector<1024x128xf32> to vector<1024x128xbf16>
    %get3A_3 = arith.constant 0 : index
    %get3A_4 = arith.constant 0 : index
    %get3A_5 = vector.load %arg5[%get3A_3, %get3A_4] : memref<128x512xbf16, #tpu.memory_space<vmem>>, vector<128x512xbf16>
    %dot_general3A = arith.constant dense<0.000000e+00> : vector<1024x512xf32>
    %dot_general3A_6 = tpu.matmul %convert_element_type3A, %get3A_5, %dot_general3A {dimension_numbers = #tpu.dot_dimension_numbers<[1], [0], [0], [1], [0, 0, 1, 1], [], []>, transpose_lhs_hint = false} : vector<1024x128xbf16>, vector<128x512xbf16>, vector<1024x512xf32> -> vector<1024x512xf32>
    %get3A_7 = arith.constant 0 : index
    %get3A_8 = arith.constant 0 : index
    %get3A_9 = vector.load %arg6[%get3A_7, %get3A_8] : memref<1x512xf32, #tpu.memory_space<vmem>>, vector<1x512xf32>
    %add3A = vector.broadcast %get3A_9 : vector<1x512xf32> to vector<1024x512xf32>
    %add3A_10 = arith.addf %dot_general3A_6, %add3A : vector<1024x512xf32>
    %slice3A = vector.extract_strided_slice %add3A_10 {offsets = [0, 0], sizes = [1024, 128], strides = [1, 1]} : vector<1024x512xf32> to vector<1024x128xf32>
    %slice3A_11 = vector.extract_strided_slice %add3A_10 {offsets = [0, 128], sizes = [1024, 128], strides = [1, 1]} : vector<1024x512xf32> to vector<1024x128xf32>
    %slice3A_12 = vector.extract_strided_slice %add3A_10 {offsets = [0, 256], sizes = [1024, 128], strides = [1, 1]} : vector<1024x512xf32> to vector<1024x128xf32>
    %slice3A_13 = vector.extract_strided_slice %add3A_10 {offsets = [0, 384], sizes = [1024, 128], strides = [1, 1]} : vector<1024x512xf32> to vector<1024x128xf32>
    %get3A_14 = arith.constant 0 : index
    %get3A_15 = arith.constant 0 : index
    %get3A_16 = vector.load %arg4[%get3A_14, %get3A_15] : memref<1024x1024xf32, #tpu.memory_space<vmem>>, vector<1024x1024xf32>
    %iota3A = tpu.iota {dimensions = array<i32: 1>} : vector<1024x128xi32>
    %jit3A = arith.constant 32 : i32
    %div3A = vector.broadcast %jit3A : i32 to vector<1024x128xi32>
    %div3A_17 = arith.divsi %iota3A, %div3A : vector<1024x128xi32>
    %sign3A = arith.constant 0 : i32
    %sign3A_18 = vector.broadcast %sign3A : i32 to vector<1024x128xi32>
    %sign3A_19 = arith.cmpi sgt, %iota3A, %sign3A_18 : vector<1024x128xi32>
    %sign3A_20 = arith.extui %sign3A_19 : vector<1024x128xi1> to vector<1024x128xi32>
    %sign3A_21 = arith.constant 0 : i32
    %sign3A_22 = vector.broadcast %sign3A_21 : i32 to vector<1024x128xi32>
    %sign3A_23 = arith.cmpi slt, %iota3A, %sign3A_22 : vector<1024x128xi32>
    %sign3A_24 = arith.extui %sign3A_23 : vector<1024x128xi1> to vector<1024x128xi32>
    %sign3A_25 = arith.subi %sign3A_20, %sign3A_24 : vector<1024x128xi32>
    %sign3A_26 = arith.constant 0 : i32
    %sign3A_27 = arith.cmpi sgt, %jit3A, %sign3A_26 : i32
    %sign3A_28 = arith.extui %sign3A_27 : i1 to i32
    %sign3A_29 = arith.constant 0 : i32
    %sign3A_30 = arith.cmpi slt, %jit3A, %sign3A_29 : i32
    %sign3A_31 = arith.extui %sign3A_30 : i1 to i32
    %sign3A_32 = arith.subi %sign3A_28, %sign3A_31 : i32
    %ne3A = vector.broadcast %sign3A_32 : i32 to vector<1024x128xi32>
    %ne3A_33 = arith.cmpi ne, %sign3A_25, %ne3A : vector<1024x128xi32>
    %rem3A = vector.broadcast %jit3A : i32 to vector<1024x128xi32>
    %rem3A_34 = arith.remsi %iota3A, %rem3A : vector<1024x128xi32>
    %ne3A_35 = arith.constant 0 : i32
    %ne3A_36 = vector.broadcast %ne3A_35 : i32 to vector<1024x128xi32>
    %ne3A_37 = arith.cmpi ne, %rem3A_34, %ne3A_36 : vector<1024x128xi32>
    %and3A = arith.andi %ne3A_33, %ne3A_37 : vector<1024x128xi1>
    %sub3A = arith.constant 1 : i32
    %sub3A_38 = vector.broadcast %sub3A : i32 to vector<1024x128xi32>
    %sub3A_39 = arith.subi %div3A_17, %sub3A_38 : vector<1024x128xi32>
    %select_n3A = arith.select %and3A, %sub3A_39, %div3A_17 : vector<1024x128xi1>, vector<1024x128xi32>
    %slice3A_40 = vector.extract_strided_slice %slice3A {offsets = [0, 0], sizes = [1024, 32], strides = [1, 1]} : vector<1024x128xf32> to vector<1024x32xf32>
    %convert_element_type3A_41 = arith.truncf %slice3A_40 : vector<1024x32xf32> to vector<1024x32xbf16>
    %slice3A_42 = vector.extract_strided_slice %slice3A_11 {offsets = [0, 0], sizes = [1024, 32], strides = [1, 1]} : vector<1024x128xf32> to vector<1024x32xf32>
    %convert_element_type3A_43 = arith.truncf %slice3A_42 : vector<1024x32xf32> to vector<1024x32xbf16>
    %eq3A = arith.constant 0 : i32
    %eq3A_44 = vector.broadcast %eq3A : i32 to vector<1024x128xi32>
    %eq3A_45 = arith.cmpi eq, %select_n3A, %eq3A_44 : vector<1024x128xi32>
    %jit3A_46 = arith.constant 1.000000e+00 : f32
    %jit3A_47 = arith.constant 0.000000e+00 : f32
    %broadcast_in_dim3A = vector.broadcast %jit3A_46 : f32 to vector<1024x128xf32>
    %broadcast_in_dim3A_48 = vector.broadcast %jit3A_47 : f32 to vector<1024x128xf32>
    %select_n3A_49 = arith.select %eq3A_45, %broadcast_in_dim3A, %broadcast_in_dim3A_48 : vector<1024x128xi1>, vector<1024x128xf32>
    %mul3A = arith.mulf %slice3A_12, %select_n3A_49 : vector<1024x128xf32>
    %concatenate3A = tpu.concatenate %mul3A, %select_n3A_49 in 1 : vector<1024x128xf32>, vector<1024x128xf32> -> vector<1024x256xf32>
    %dot_general3A_50 = arith.constant dense<0.000000e+00> : vector<1024x1024xf32>
    %dot_general3A_51 = tpu.matmul %convert_element_type3A_41, %convert_element_type3A_43, %dot_general3A_50 {dimension_numbers = #tpu.dot_dimension_numbers<[1], [1], [0], [0], [0, 0, 1, 0], [], []>, transpose_lhs_hint = false} : vector<1024x32xbf16>, vector<1024x32xbf16>, vector<1024x1024xf32> -> vector<1024x1024xf32>
    %add3A_52 = arith.addf %dot_general3A_51, %get3A_16 : vector<1024x1024xf32>
    %exp3A = math.exp %add3A_52 : vector<1024x1024xf32>
    %dot_general3A_53 = arith.constant dense<0.000000e+00> : vector<1024x256xf32>
    %dot_general3A_54 = tpu.matmul %exp3A, %concatenate3A, %dot_general3A_53 {dimension_numbers = #tpu.dot_dimension_numbers<[1], [0], [0], [1], [0, 0, 1, 1], [], []>, transpose_lhs_hint = false} : vector<1024x1024xf32>, vector<1024x256xf32>, vector<1024x256xf32> -> vector<1024x256xf32>
    %slice3A_55 = vector.extract_strided_slice %slice3A {offsets = [0, 32], sizes = [1024, 32], strides = [1, 1]} : vector<1024x128xf32> to vector<1024x32xf32>
    %convert_element_type3A_56 = arith.truncf %slice3A_55 : vector<1024x32xf32> to vector<1024x32xbf16>
    %slice3A_57 = vector.extract_strided_slice %slice3A_11 {offsets = [0, 32], sizes = [1024, 32], strides = [1, 1]} : vector<1024x128xf32> to vector<1024x32xf32>
    %convert_element_type3A_58 = arith.truncf %slice3A_57 : vector<1024x32xf32> to vector<1024x32xbf16>
    %eq3A_59 = arith.constant 1 : i32
    %eq3A_60 = vector.broadcast %eq3A_59 : i32 to vector<1024x128xi32>
    %eq3A_61 = arith.cmpi eq, %select_n3A, %eq3A_60 : vector<1024x128xi32>
    %jit3A_62 = arith.constant 1.000000e+00 : f32
    %jit3A_63 = arith.constant 0.000000e+00 : f32
    %broadcast_in_dim3A_64 = vector.broadcast %jit3A_62 : f32 to vector<1024x128xf32>
    %broadcast_in_dim3A_65 = vector.broadcast %jit3A_63 : f32 to vector<1024x128xf32>
    %select_n3A_66 = arith.select %eq3A_61, %broadcast_in_dim3A_64, %broadcast_in_dim3A_65 : vector<1024x128xi1>, vector<1024x128xf32>
    %mul3A_67 = arith.mulf %slice3A_12, %select_n3A_66 : vector<1024x128xf32>
    %concatenate3A_68 = tpu.concatenate %mul3A_67, %select_n3A_66 in 1 : vector<1024x128xf32>, vector<1024x128xf32> -> vector<1024x256xf32>
    %dot_general3A_69 = arith.constant dense<0.000000e+00> : vector<1024x1024xf32>
    %dot_general3A_70 = tpu.matmul %convert_element_type3A_56, %convert_element_type3A_58, %dot_general3A_69 {dimension_numbers = #tpu.dot_dimension_numbers<[1], [1], [0], [0], [0, 0, 1, 0], [], []>, transpose_lhs_hint = false} : vector<1024x32xbf16>, vector<1024x32xbf16>, vector<1024x1024xf32> -> vector<1024x1024xf32>
    %add3A_71 = arith.addf %dot_general3A_70, %get3A_16 : vector<1024x1024xf32>
    %exp3A_72 = math.exp %add3A_71 : vector<1024x1024xf32>
    %dot_general3A_73 = arith.constant dense<0.000000e+00> : vector<1024x256xf32>
    %dot_general3A_74 = tpu.matmul %exp3A_72, %concatenate3A_68, %dot_general3A_73 {dimension_numbers = #tpu.dot_dimension_numbers<[1], [0], [0], [1], [0, 0, 1, 1], [], []>, transpose_lhs_hint = false} : vector<1024x1024xf32>, vector<1024x256xf32>, vector<1024x256xf32> -> vector<1024x256xf32>
    %add3A_75 = arith.addf %dot_general3A_54, %dot_general3A_74 : vector<1024x256xf32>
    %slice3A_76 = vector.extract_strided_slice %slice3A {offsets = [0, 64], sizes = [1024, 32], strides = [1, 1]} : vector<1024x128xf32> to vector<1024x32xf32>
    %convert_element_type3A_77 = arith.truncf %slice3A_76 : vector<1024x32xf32> to vector<1024x32xbf16>
    %slice3A_78 = vector.extract_strided_slice %slice3A_11 {offsets = [0, 64], sizes = [1024, 32], strides = [1, 1]} : vector<1024x128xf32> to vector<1024x32xf32>
    %convert_element_type3A_79 = arith.truncf %slice3A_78 : vector<1024x32xf32> to vector<1024x32xbf16>
    %eq3A_80 = arith.constant 2 : i32
    %eq3A_81 = vector.broadcast %eq3A_80 : i32 to vector<1024x128xi32>
    %eq3A_82 = arith.cmpi eq, %select_n3A, %eq3A_81 : vector<1024x128xi32>
    %jit3A_83 = arith.constant 1.000000e+00 : f32
    %jit3A_84 = arith.constant 0.000000e+00 : f32
    %broadcast_in_dim3A_85 = vector.broadcast %jit3A_83 : f32 to vector<1024x128xf32>
    %broadcast_in_dim3A_86 = vector.broadcast %jit3A_84 : f32 to vector<1024x128xf32>
    %select_n3A_87 = arith.select %eq3A_82, %broadcast_in_dim3A_85, %broadcast_in_dim3A_86 : vector<1024x128xi1>, vector<1024x128xf32>
    %mul3A_88 = arith.mulf %slice3A_12, %select_n3A_87 : vector<1024x128xf32>
    %concatenate3A_89 = tpu.concatenate %mul3A_88, %select_n3A_87 in 1 : vector<1024x128xf32>, vector<1024x128xf32> -> vector<1024x256xf32>
    %dot_general3A_90 = arith.constant dense<0.000000e+00> : vector<1024x1024xf32>
    %dot_general3A_91 = tpu.matmul %convert_element_type3A_77, %convert_element_type3A_79, %dot_general3A_90 {dimension_numbers = #tpu.dot_dimension_numbers<[1], [1], [0], [0], [0, 0, 1, 0], [], []>, transpose_lhs_hint = false} : vector<1024x32xbf16>, vector<1024x32xbf16>, vector<1024x1024xf32> -> vector<1024x1024xf32>
    %add3A_92 = arith.addf %dot_general3A_91, %get3A_16 : vector<1024x1024xf32>
    %exp3A_93 = math.exp %add3A_92 : vector<1024x1024xf32>
    %dot_general3A_94 = arith.constant dense<0.000000e+00> : vector<1024x256xf32>
    %dot_general3A_95 = tpu.matmul %exp3A_93, %concatenate3A_89, %dot_general3A_94 {dimension_numbers = #tpu.dot_dimension_numbers<[1], [0], [0], [1], [0, 0, 1, 1], [], []>, transpose_lhs_hint = false} : vector<1024x1024xf32>, vector<1024x256xf32>, vector<1024x256xf32> -> vector<1024x256xf32>
    %add3A_96 = arith.addf %add3A_75, %dot_general3A_95 : vector<1024x256xf32>
    %slice3A_97 = vector.extract_strided_slice %slice3A {offsets = [0, 96], sizes = [1024, 32], strides = [1, 1]} : vector<1024x128xf32> to vector<1024x32xf32>
    %convert_element_type3A_98 = arith.truncf %slice3A_97 : vector<1024x32xf32> to vector<1024x32xbf16>
    %slice3A_99 = vector.extract_strided_slice %slice3A_11 {offsets = [0, 96], sizes = [1024, 32], strides = [1, 1]} : vector<1024x128xf32> to vector<1024x32xf32>
    %convert_element_type3A_100 = arith.truncf %slice3A_99 : vector<1024x32xf32> to vector<1024x32xbf16>
    %eq3A_101 = arith.constant 3 : i32
    %eq3A_102 = vector.broadcast %eq3A_101 : i32 to vector<1024x128xi32>
    %eq3A_103 = arith.cmpi eq, %select_n3A, %eq3A_102 : vector<1024x128xi32>
    %jit3A_104 = arith.constant 1.000000e+00 : f32
    %jit3A_105 = arith.constant 0.000000e+00 : f32
    %broadcast_in_dim3A_106 = vector.broadcast %jit3A_104 : f32 to vector<1024x128xf32>
    %broadcast_in_dim3A_107 = vector.broadcast %jit3A_105 : f32 to vector<1024x128xf32>
    %select_n3A_108 = arith.select %eq3A_103, %broadcast_in_dim3A_106, %broadcast_in_dim3A_107 : vector<1024x128xi1>, vector<1024x128xf32>
    %mul3A_109 = arith.mulf %slice3A_12, %select_n3A_108 : vector<1024x128xf32>
    %concatenate3A_110 = tpu.concatenate %mul3A_109, %select_n3A_108 in 1 : vector<1024x128xf32>, vector<1024x128xf32> -> vector<1024x256xf32>
    %dot_general3A_111 = arith.constant dense<0.000000e+00> : vector<1024x1024xf32>
    %dot_general3A_112 = tpu.matmul %convert_element_type3A_98, %convert_element_type3A_100, %dot_general3A_111 {dimension_numbers = #tpu.dot_dimension_numbers<[1], [1], [0], [0], [0, 0, 1, 0], [], []>, transpose_lhs_hint = false} : vector<1024x32xbf16>, vector<1024x32xbf16>, vector<1024x1024xf32> -> vector<1024x1024xf32>
    %add3A_113 = arith.addf %dot_general3A_112, %get3A_16 : vector<1024x1024xf32>
    %exp3A_114 = math.exp %add3A_113 : vector<1024x1024xf32>
    %dot_general3A_115 = arith.constant dense<0.000000e+00> : vector<1024x256xf32>
    %dot_general3A_116 = tpu.matmul %exp3A_114, %concatenate3A_110, %dot_general3A_115 {dimension_numbers = #tpu.dot_dimension_numbers<[1], [0], [0], [1], [0, 0, 1, 1], [], []>, transpose_lhs_hint = false} : vector<1024x1024xf32>, vector<1024x256xf32>, vector<1024x256xf32> -> vector<1024x256xf32>
    %add3A_117 = arith.addf %add3A_96, %dot_general3A_116 : vector<1024x256xf32>
    %slice3A_118 = vector.extract_strided_slice %add3A_117 {offsets = [0, 128], sizes = [1024, 128], strides = [1, 1]} : vector<1024x256xf32> to vector<1024x128xf32>
    %slice3A_119 = vector.extract_strided_slice %add3A_117 {offsets = [0, 0], sizes = [1024, 128], strides = [1, 1]} : vector<1024x256xf32> to vector<1024x128xf32>
    %gt3A = arith.constant 0.000000e+00 : f32
    %gt3A_120 = vector.broadcast %gt3A : f32 to vector<1024x128xf32>
    %gt3A_121 = arith.cmpf ogt, %slice3A_118, %gt3A_120 : vector<1024x128xf32>
    %jit3A_122 = arith.constant 1.000000e+00 : f32
    %broadcast_in_dim3A_123 = vector.broadcast %jit3A_122 : f32 to vector<1024x128xf32>
    %select_n3A_124 = arith.select %gt3A_121, %slice3A_118, %broadcast_in_dim3A_123 : vector<1024x128xi1>, vector<1024x128xf32>
    %div3A_125 = arith.divf %slice3A_119, %select_n3A_124 : vector<1024x128xf32>
    %add3A_126 = arith.addf %div3A_125, %slice3A_13 : vector<1024x128xf32>
    %get3A_127 = arith.constant 0 : index
    %get3A_128 = arith.constant 0 : index
    %get3A_129 = vector.load %arg7[%get3A_127, %get3A_128] : memref<1x128xf32, #tpu.memory_space<vmem>>, vector<1x128xf32>
    %get3A_130 = arith.constant 0 : index
    %get3A_131 = arith.constant 0 : index
    %get3A_132 = vector.load %arg8[%get3A_130, %get3A_131] : memref<1x128xf32, #tpu.memory_space<vmem>>, vector<1x128xf32>
    %reduce_sum3A = arith.constant dense<0.000000e+00> : vector<1024xf32>
    %reduce_sum3A_133 = vector.multi_reduction <add>, %add3A_126, %reduce_sum3A [1] : vector<1024x128xf32> to vector<1024xf32>
    %broadcast_in_dim3A_134 = vector.shape_cast %reduce_sum3A_133 : vector<1024xf32> to vector<1024x1xf32>
    %div3A_135 = arith.constant 1.280000e+02 : f32
    %div3A_136 = vector.broadcast %div3A_135 : f32 to vector<1024x1xf32>
    %div3A_137 = arith.divf %broadcast_in_dim3A_134, %div3A_136 : vector<1024x1xf32>
    %sub3A_138 = vector.broadcast %div3A_137 : vector<1024x1xf32> to vector<1024x128xf32>
    %sub3A_139 = arith.subf %add3A_126, %sub3A_138 : vector<1024x128xf32>
    %integer_pow3A = arith.mulf %sub3A_139, %sub3A_139 : vector<1024x128xf32>
    %reduce_sum3A_140 = arith.constant dense<0.000000e+00> : vector<1024xf32>
    %reduce_sum3A_141 = vector.multi_reduction <add>, %integer_pow3A, %reduce_sum3A_140 [1] : vector<1024x128xf32> to vector<1024xf32>
    %broadcast_in_dim3A_142 = vector.shape_cast %reduce_sum3A_141 : vector<1024xf32> to vector<1024x1xf32>
    %div3A_143 = arith.constant 1.280000e+02 : f32
    %div3A_144 = vector.broadcast %div3A_143 : f32 to vector<1024x1xf32>
    %div3A_145 = arith.divf %broadcast_in_dim3A_142, %div3A_144 : vector<1024x1xf32>
    %sub3A_146 = vector.broadcast %div3A_137 : vector<1024x1xf32> to vector<1024x128xf32>
    %sub3A_147 = arith.subf %add3A_126, %sub3A_146 : vector<1024x128xf32>
    %add3A_148 = arith.constant 9.99999974E-6 : f32
    %add3A_149 = vector.broadcast %add3A_148 : f32 to vector<1024x1xf32>
    %add3A_150 = arith.addf %div3A_145, %add3A_149 : vector<1024x1xf32>
    %sqrt3A = math.sqrt %add3A_150 : vector<1024x1xf32>
    %div3A_151 = vector.broadcast %sqrt3A : vector<1024x1xf32> to vector<1024x128xf32>
    %div3A_152 = arith.divf %sub3A_147, %div3A_151 : vector<1024x128xf32>
    %mul3A_153 = vector.broadcast %get3A_129 : vector<1x128xf32> to vector<1024x128xf32>
    %mul3A_154 = arith.mulf %div3A_152, %mul3A_153 : vector<1024x128xf32>
    %add3A_155 = vector.broadcast %get3A_132 : vector<1x128xf32> to vector<1024x128xf32>
    %add3A_156 = arith.addf %mul3A_154, %add3A_155 : vector<1024x128xf32>
    %iota3A_157 = tpu.iota {dimensions = array<i32: 0>} : vector<16x1024xi32>
    %iota3A_158 = tpu.iota {dimensions = array<i32: 1>} : vector<16x1024xi32>
    %jit3A_159 = arith.constant 64 : i32
    %div3A_160 = vector.broadcast %jit3A_159 : i32 to vector<16x1024xi32>
    %div3A_161 = arith.divsi %iota3A_158, %div3A_160 : vector<16x1024xi32>
    %sign3A_162 = arith.constant 0 : i32
    %sign3A_163 = vector.broadcast %sign3A_162 : i32 to vector<16x1024xi32>
    %sign3A_164 = arith.cmpi sgt, %iota3A_158, %sign3A_163 : vector<16x1024xi32>
    %sign3A_165 = arith.extui %sign3A_164 : vector<16x1024xi1> to vector<16x1024xi32>
    %sign3A_166 = arith.constant 0 : i32
    %sign3A_167 = vector.broadcast %sign3A_166 : i32 to vector<16x1024xi32>
    %sign3A_168 = arith.cmpi slt, %iota3A_158, %sign3A_167 : vector<16x1024xi32>
    %sign3A_169 = arith.extui %sign3A_168 : vector<16x1024xi1> to vector<16x1024xi32>
    %sign3A_170 = arith.subi %sign3A_165, %sign3A_169 : vector<16x1024xi32>
    %sign3A_171 = arith.constant 0 : i32
    %sign3A_172 = arith.cmpi sgt, %jit3A_159, %sign3A_171 : i32
    %sign3A_173 = arith.extui %sign3A_172 : i1 to i32
    %sign3A_174 = arith.constant 0 : i32
    %sign3A_175 = arith.cmpi slt, %jit3A_159, %sign3A_174 : i32
    %sign3A_176 = arith.extui %sign3A_175 : i1 to i32
    %sign3A_177 = arith.subi %sign3A_173, %sign3A_176 : i32
    %ne3A_178 = vector.broadcast %sign3A_177 : i32 to vector<16x1024xi32>
    %ne3A_179 = arith.cmpi ne, %sign3A_170, %ne3A_178 : vector<16x1024xi32>
    %rem3A_180 = vector.broadcast %jit3A_159 : i32 to vector<16x1024xi32>
    %rem3A_181 = arith.remsi %iota3A_158, %rem3A_180 : vector<16x1024xi32>
    %ne3A_182 = arith.constant 0 : i32
    %ne3A_183 = vector.broadcast %ne3A_182 : i32 to vector<16x1024xi32>
    %ne3A_184 = arith.cmpi ne, %rem3A_181, %ne3A_183 : vector<16x1024xi32>
    %and3A_185 = arith.andi %ne3A_179, %ne3A_184 : vector<16x1024xi1>
    %sub3A_186 = arith.constant 1 : i32
    %sub3A_187 = vector.broadcast %sub3A_186 : i32 to vector<16x1024xi32>
    %sub3A_188 = arith.subi %div3A_161, %sub3A_187 : vector<16x1024xi32>
    %select_n3A_189 = arith.select %and3A_185, %sub3A_188, %div3A_161 : vector<16x1024xi1>, vector<16x1024xi32>
    %eq3A_190 = arith.cmpi eq, %select_n3A_189, %iota3A_157 : vector<16x1024xi32>
    %jit3A_191 = arith.constant 1.562500e-02 : f32
    %jit3A_192 = arith.constant 0.000000e+00 : f32
    %broadcast_in_dim3A_193 = vector.broadcast %jit3A_191 : f32 to vector<16x1024xf32>
    %broadcast_in_dim3A_194 = vector.broadcast %jit3A_192 : f32 to vector<16x1024xf32>
    %select_n3A_195 = arith.select %eq3A_190, %broadcast_in_dim3A_193, %broadcast_in_dim3A_194 : vector<16x1024xi1>, vector<16x1024xf32>
    %convert_element_type3A_196 = arith.truncf %select_n3A_195 : vector<16x1024xf32> to vector<16x1024xbf16>
    %convert_element_type3A_197 = arith.truncf %add3A_156 : vector<1024x128xf32> to vector<1024x128xbf16>
    %dot_general3A_198 = arith.constant dense<0.000000e+00> : vector<16x128xf32>
    %dot_general3A_199 = tpu.matmul %convert_element_type3A_196, %convert_element_type3A_197, %dot_general3A_198 {dimension_numbers = #tpu.dot_dimension_numbers<[1], [0], [0], [1], [0, 0, 1, 1], [], []>, transpose_lhs_hint = false} : vector<16x1024xbf16>, vector<1024x128xbf16>, vector<16x128xf32> -> vector<16x128xf32>
    %get3A_200 = arith.constant 0 : index
    %get3A_201 = arith.constant 0 : index
    %get3A_202 = vector.load %arg9[%get3A_200, %get3A_201] : memref<128x128xf32, #tpu.memory_space<vmem>>, vector<128x128xf32>
    %dot_general3A_203 = arith.constant dense<0.000000e+00> : vector<16x128xf32>
    %dot_general3A_204 = tpu.matmul %dot_general3A_199, %get3A_202, %dot_general3A_203 {dimension_numbers = #tpu.dot_dimension_numbers<[1], [0], [0], [1], [0, 0, 1, 1], [], []>, transpose_lhs_hint = false} : vector<16x128xf32>, vector<128x128xf32>, vector<16x128xf32> -> vector<16x128xf32>
    %get3A_205 = arith.constant 0 : index
    %get3A_206 = arith.constant 0 : index
    %get3A_207 = vector.load %arg10[%get3A_205, %get3A_206] : memref<1x128xf32, #tpu.memory_space<vmem>>, vector<1x128xf32>
    %add3A_208 = vector.broadcast %get3A_207 : vector<1x128xf32> to vector<16x128xf32>
    %add3A_209 = arith.addf %dot_general3A_204, %add3A_208 : vector<16x128xf32>
    %mul3A_210 = arith.constant 5.000000e-01 : f32
    %mul3A_211 = vector.broadcast %mul3A_210 : f32 to vector<16x128xf32>
    %mul3A_212 = arith.mulf %add3A_209, %mul3A_211 : vector<16x128xf32>
    %mul3A_213 = arith.constant 0.707106769 : f32
    %mul3A_214 = vector.broadcast %mul3A_213 : f32 to vector<16x128xf32>
    %mul3A_215 = arith.mulf %add3A_209, %mul3A_214 : vector<16x128xf32>
    %erf3A = math.erf %mul3A_215 : vector<16x128xf32>
    %add3A_216 = arith.constant 1.000000e+00 : f32
    %add3A_217 = vector.broadcast %add3A_216 : f32 to vector<16x128xf32>
    %add3A_218 = arith.addf %add3A_217, %erf3A : vector<16x128xf32>
    %mul3A_219 = arith.mulf %mul3A_212, %add3A_218 : vector<16x128xf32>
    %get3A_220 = arith.constant 0 : index
    %get3A_221 = arith.constant 0 : index
    %get3A_222 = arith.constant 0 : index
    %get3A_223 = vector.load %arg3[%get3A_220, %get3A_221, %get3A_222] : memref<1x16x128xf32, #tpu.memory_space<vmem>>, vector<1x16x128xf32>
    %get3A_224 = vector.shape_cast %get3A_223 : vector<1x16x128xf32> to vector<16x128xf32>
    %get3A_225 = arith.constant 0 : index
    %get3A_226 = arith.constant 0 : index
    %get3A_227 = arith.constant 0 : index
    %get3A_228 = vector.load %arg2[%get3A_225, %get3A_226, %get3A_227] : memref<1x16x128xf32, #tpu.memory_space<vmem>>, vector<1x16x128xf32>
    %get3A_229 = vector.shape_cast %get3A_228 : vector<1x16x128xf32> to vector<16x128xf32>
    %get3A_230 = arith.constant 0 : index
    %get3A_231 = arith.constant 0 : index
    %get3A_232 = vector.load %arg11[%get3A_230, %get3A_231] : memref<128x128xf32, #tpu.memory_space<vmem>>, vector<128x128xf32>
    %dot_general3A_233 = arith.constant dense<0.000000e+00> : vector<16x128xf32>
    %dot_general3A_234 = tpu.matmul %get3A_224, %get3A_232, %dot_general3A_233 {dimension_numbers = #tpu.dot_dimension_numbers<[1], [0], [0], [1], [0, 0, 1, 1], [], []>, transpose_lhs_hint = false} : vector<16x128xf32>, vector<128x128xf32>, vector<16x128xf32> -> vector<16x128xf32>
    %get3A_235 = arith.constant 0 : index
    %get3A_236 = arith.constant 0 : index
    %get3A_237 = vector.load %arg12[%get3A_235, %get3A_236] : memref<1x128xf32, #tpu.memory_space<vmem>>, vector<1x128xf32>
    %add3A_238 = vector.broadcast %get3A_237 : vector<1x128xf32> to vector<16x128xf32>
    %add3A_239 = arith.addf %dot_general3A_234, %add3A_238 : vector<16x128xf32>
    %get3A_240 = arith.constant 0 : index
    %get3A_241 = arith.constant 0 : index
    %get3A_242 = vector.load %arg13[%get3A_240, %get3A_241] : memref<128x256xf32, #tpu.memory_space<vmem>>, vector<128x256xf32>
    %dot_general3A_243 = arith.constant dense<0.000000e+00> : vector<16x256xf32>
    %dot_general3A_244 = tpu.matmul %mul3A_219, %get3A_242, %dot_general3A_243 {dimension_numbers = #tpu.dot_dimension_numbers<[1], [0], [0], [1], [0, 0, 1, 1], [], []>, transpose_lhs_hint = false} : vector<16x128xf32>, vector<128x256xf32>, vector<16x256xf32> -> vector<16x256xf32>
    %get3A_245 = arith.constant 0 : index
    %get3A_246 = arith.constant 0 : index
    %get3A_247 = vector.load %arg14[%get3A_245, %get3A_246] : memref<1x256xf32, #tpu.memory_space<vmem>>, vector<1x256xf32>
    %add3A_248 = vector.broadcast %get3A_247 : vector<1x256xf32> to vector<16x256xf32>
    %add3A_249 = arith.addf %dot_general3A_244, %add3A_248 : vector<16x256xf32>
    %slice3A_250 = vector.extract_strided_slice %add3A_249 {offsets = [0, 0], sizes = [16, 128], strides = [1, 1]} : vector<16x256xf32> to vector<16x128xf32>
    %mul3A_251 = arith.mulf %add3A_239, %slice3A_250 : vector<16x128xf32>
    %reduce_sum3A_252 = arith.constant dense<0.000000e+00> : vector<16xf32>
    %reduce_sum3A_253 = vector.multi_reduction <add>, %mul3A_251, %reduce_sum3A_252 [1] : vector<16x128xf32> to vector<16xf32>
    %broadcast_in_dim3A_254 = vector.shape_cast %reduce_sum3A_253 : vector<16xf32> to vector<16x1xf32>
    %mul3A_255 = arith.constant 0.0883883461 : f32
    %mul3A_256 = vector.broadcast %mul3A_255 : f32 to vector<16x1xf32>
    %mul3A_257 = arith.mulf %broadcast_in_dim3A_254, %mul3A_256 : vector<16x1xf32>
    %logistic3A = arith.negf %mul3A_257 : vector<16x1xf32>
    %logistic3A_258 = math.exp %logistic3A : vector<16x1xf32>
    %logistic3A_259 = arith.constant 1.000000e+00 : f32
    %logistic3A_260 = vector.broadcast %logistic3A_259 : f32 to vector<16x1xf32>
    %logistic3A_261 = arith.addf %logistic3A_260, %logistic3A_258 : vector<16x1xf32>
    %logistic3A_262 = arith.divf %logistic3A_260, %logistic3A_261 : vector<16x1xf32>
    %slice3A_263 = vector.extract_strided_slice %add3A_249 {offsets = [0, 128], sizes = [16, 128], strides = [1, 1]} : vector<16x256xf32> to vector<16x128xf32>
    %mul3A_264 = vector.broadcast %logistic3A_262 : vector<16x1xf32> to vector<16x128xf32>
    %mul3A_265 = arith.mulf %mul3A_264, %slice3A_263 : vector<16x128xf32>
    %get3A_266 = arith.constant 0 : index
    %get3A_267 = arith.constant 0 : index
    %get3A_268 = vector.load %arg15[%get3A_266, %get3A_267] : memref<128x128xf32, #tpu.memory_space<vmem>>, vector<128x128xf32>
    %dot_general3A_269 = arith.constant dense<0.000000e+00> : vector<16x128xf32>
    %dot_general3A_270 = tpu.matmul %mul3A_219, %get3A_268, %dot_general3A_269 {dimension_numbers = #tpu.dot_dimension_numbers<[1], [0], [0], [1], [0, 0, 1, 1], [], []>, transpose_lhs_hint = false} : vector<16x128xf32>, vector<128x128xf32>, vector<16x128xf32> -> vector<16x128xf32>
    %get3A_271 = arith.constant 0 : index
    %get3A_272 = arith.constant 0 : index
    %get3A_273 = vector.load %arg16[%get3A_271, %get3A_272] : memref<1x128xf32, #tpu.memory_space<vmem>>, vector<1x128xf32>
    %add3A_274 = vector.broadcast %get3A_273 : vector<1x128xf32> to vector<16x128xf32>
    %add3A_275 = arith.addf %dot_general3A_270, %add3A_274 : vector<16x128xf32>
    %get3A_276 = arith.constant 0 : index
    %get3A_277 = arith.constant 0 : index
    %get3A_278 = vector.load %arg17[%get3A_276, %get3A_277] : memref<128x256xf32, #tpu.memory_space<vmem>>, vector<128x256xf32>
    %dot_general3A_279 = arith.constant dense<0.000000e+00> : vector<16x256xf32>
    %dot_general3A_280 = tpu.matmul %get3A_224, %get3A_278, %dot_general3A_279 {dimension_numbers = #tpu.dot_dimension_numbers<[1], [0], [0], [1], [0, 0, 1, 1], [], []>, transpose_lhs_hint = false} : vector<16x128xf32>, vector<128x256xf32>, vector<16x256xf32> -> vector<16x256xf32>
    %get3A_281 = arith.constant 0 : index
    %get3A_282 = arith.constant 0 : index
    %get3A_283 = vector.load %arg18[%get3A_281, %get3A_282] : memref<1x256xf32, #tpu.memory_space<vmem>>, vector<1x256xf32>
    %add3A_284 = vector.broadcast %get3A_283 : vector<1x256xf32> to vector<16x256xf32>
    %add3A_285 = arith.addf %dot_general3A_280, %add3A_284 : vector<16x256xf32>
    %slice3A_286 = vector.extract_strided_slice %add3A_285 {offsets = [0, 0], sizes = [16, 128], strides = [1, 1]} : vector<16x256xf32> to vector<16x128xf32>
    %mul3A_287 = arith.mulf %add3A_275, %slice3A_286 : vector<16x128xf32>
    %reduce_sum3A_288 = arith.constant dense<0.000000e+00> : vector<16xf32>
    %reduce_sum3A_289 = vector.multi_reduction <add>, %mul3A_287, %reduce_sum3A_288 [1] : vector<16x128xf32> to vector<16xf32>
    %broadcast_in_dim3A_290 = vector.shape_cast %reduce_sum3A_289 : vector<16xf32> to vector<16x1xf32>
    %mul3A_291 = arith.constant 0.0883883461 : f32
    %mul3A_292 = vector.broadcast %mul3A_291 : f32 to vector<16x1xf32>
    %mul3A_293 = arith.mulf %broadcast_in_dim3A_290, %mul3A_292 : vector<16x1xf32>
    %logistic3A_294 = arith.negf %mul3A_293 : vector<16x1xf32>
    %logistic3A_295 = math.exp %logistic3A_294 : vector<16x1xf32>
    %logistic3A_296 = arith.constant 1.000000e+00 : f32
    %logistic3A_297 = vector.broadcast %logistic3A_296 : f32 to vector<16x1xf32>
    %logistic3A_298 = arith.addf %logistic3A_297, %logistic3A_295 : vector<16x1xf32>
    %logistic3A_299 = arith.divf %logistic3A_297, %logistic3A_298 : vector<16x1xf32>
    %slice3A_300 = vector.extract_strided_slice %add3A_285 {offsets = [0, 128], sizes = [16, 128], strides = [1, 1]} : vector<16x256xf32> to vector<16x128xf32>
    %mul3A_301 = vector.broadcast %logistic3A_299 : vector<16x1xf32> to vector<16x128xf32>
    %mul3A_302 = arith.mulf %mul3A_301, %slice3A_300 : vector<16x128xf32>
    %add3A_303 = arith.addf %get3A_229, %get3A_224 : vector<16x128xf32>
    %add3A_304 = arith.addf %add3A_303, %mul3A_265 : vector<16x128xf32>
    %get3A_305 = arith.constant 0 : index
    %get3A_306 = arith.constant 0 : index
    %get3A_307 = vector.load %arg19[%get3A_305, %get3A_306] : memref<1x128xf32, #tpu.memory_space<vmem>>, vector<1x128xf32>
    %get3A_308 = arith.constant 0 : index
    %get3A_309 = arith.constant 0 : index
    %get3A_310 = vector.load %arg20[%get3A_308, %get3A_309] : memref<1x128xf32, #tpu.memory_space<vmem>>, vector<1x128xf32>
    %reduce_sum3A_311 = arith.constant dense<0.000000e+00> : vector<16xf32>
    %reduce_sum3A_312 = vector.multi_reduction <add>, %add3A_304, %reduce_sum3A_311 [1] : vector<16x128xf32> to vector<16xf32>
    %broadcast_in_dim3A_313 = vector.shape_cast %reduce_sum3A_312 : vector<16xf32> to vector<16x1xf32>
    %div3A_314 = arith.constant 1.280000e+02 : f32
    %div3A_315 = vector.broadcast %div3A_314 : f32 to vector<16x1xf32>
    %div3A_316 = arith.divf %broadcast_in_dim3A_313, %div3A_315 : vector<16x1xf32>
    %sub3A_317 = vector.broadcast %div3A_316 : vector<16x1xf32> to vector<16x128xf32>
    %sub3A_318 = arith.subf %add3A_304, %sub3A_317 : vector<16x128xf32>
    %integer_pow3A_319 = arith.mulf %sub3A_318, %sub3A_318 : vector<16x128xf32>
    %reduce_sum3A_320 = arith.constant dense<0.000000e+00> : vector<16xf32>
    %reduce_sum3A_321 = vector.multi_reduction <add>, %integer_pow3A_319, %reduce_sum3A_320 [1] : vector<16x128xf32> to vector<16xf32>
    %broadcast_in_dim3A_322 = vector.shape_cast %reduce_sum3A_321 : vector<16xf32> to vector<16x1xf32>
    %div3A_323 = arith.constant 1.280000e+02 : f32
    %div3A_324 = vector.broadcast %div3A_323 : f32 to vector<16x1xf32>
    %div3A_325 = arith.divf %broadcast_in_dim3A_322, %div3A_324 : vector<16x1xf32>
    %sub3A_326 = vector.broadcast %div3A_316 : vector<16x1xf32> to vector<16x128xf32>
    %sub3A_327 = arith.subf %add3A_304, %sub3A_326 : vector<16x128xf32>
    %add3A_328 = arith.constant 9.99999974E-6 : f32
    %add3A_329 = vector.broadcast %add3A_328 : f32 to vector<16x1xf32>
    %add3A_330 = arith.addf %div3A_325, %add3A_329 : vector<16x1xf32>
    %sqrt3A_331 = math.sqrt %add3A_330 : vector<16x1xf32>
    %div3A_332 = vector.broadcast %sqrt3A_331 : vector<16x1xf32> to vector<16x128xf32>
    %div3A_333 = arith.divf %sub3A_327, %div3A_332 : vector<16x128xf32>
    %mul3A_334 = vector.broadcast %get3A_307 : vector<1x128xf32> to vector<16x128xf32>
    %mul3A_335 = arith.mulf %div3A_333, %mul3A_334 : vector<16x128xf32>
    %add3A_336 = vector.broadcast %get3A_310 : vector<1x128xf32> to vector<16x128xf32>
    %add3A_337 = arith.addf %mul3A_335, %add3A_336 : vector<16x128xf32>
    %reshape3A_338 = vector.shape_cast %add3A_337 : vector<16x128xf32> to vector<1x16x128xf32>
    %swap3A = arith.constant 0 : index
    %swap3A_339 = arith.constant 0 : index
    %swap3A_340 = arith.constant 0 : index
    %swap3A_341 = vector.load %arg23[%swap3A, %swap3A_339, %swap3A_340] : memref<1x16x128xf32, #tpu.memory_space<vmem>>, vector<1x16x128xf32>
    tpu.vector_store %arg23[%swap3A, %swap3A_339, %swap3A_340], %reshape3A_338 {strides = array<i32>} : memref<1x16x128xf32, #tpu.memory_space<vmem>>, vector<1x16x128xf32>,
    %iota3A_342 = tpu.iota {dimensions = array<i32: 0>} : vector<1024x16xi32>
    %iota3A_343 = tpu.iota {dimensions = array<i32: 1>} : vector<1024x16xi32>
    %jit3A_344 = arith.constant 64 : i32
    %div3A_345 = vector.broadcast %jit3A_344 : i32 to vector<1024x16xi32>
    %div3A_346 = arith.divsi %iota3A_342, %div3A_345 : vector<1024x16xi32>
    %sign3A_347 = arith.constant 0 : i32
    %sign3A_348 = vector.broadcast %sign3A_347 : i32 to vector<1024x16xi32>
    %sign3A_349 = arith.cmpi sgt, %iota3A_342, %sign3A_348 : vector<1024x16xi32>
    %sign3A_350 = arith.extui %sign3A_349 : vector<1024x16xi1> to vector<1024x16xi32>
    %sign3A_351 = arith.constant 0 : i32
    %sign3A_352 = vector.broadcast %sign3A_351 : i32 to vector<1024x16xi32>
    %sign3A_353 = arith.cmpi slt, %iota3A_342, %sign3A_352 : vector<1024x16xi32>
    %sign3A_354 = arith.extui %sign3A_353 : vector<1024x16xi1> to vector<1024x16xi32>
    %sign3A_355 = arith.subi %sign3A_350, %sign3A_354 : vector<1024x16xi32>
    %sign3A_356 = arith.constant 0 : i32
    %sign3A_357 = arith.cmpi sgt, %jit3A_344, %sign3A_356 : i32
    %sign3A_358 = arith.extui %sign3A_357 : i1 to i32
    %sign3A_359 = arith.constant 0 : i32
    %sign3A_360 = arith.cmpi slt, %jit3A_344, %sign3A_359 : i32
    %sign3A_361 = arith.extui %sign3A_360 : i1 to i32
    %sign3A_362 = arith.subi %sign3A_358, %sign3A_361 : i32
    %ne3A_363 = vector.broadcast %sign3A_362 : i32 to vector<1024x16xi32>
    %ne3A_364 = arith.cmpi ne, %sign3A_355, %ne3A_363 : vector<1024x16xi32>
    %rem3A_365 = vector.broadcast %jit3A_344 : i32 to vector<1024x16xi32>
    %rem3A_366 = arith.remsi %iota3A_342, %rem3A_365 : vector<1024x16xi32>
    %ne3A_367 = arith.constant 0 : i32
    %ne3A_368 = vector.broadcast %ne3A_367 : i32 to vector<1024x16xi32>
    %ne3A_369 = arith.cmpi ne, %rem3A_366, %ne3A_368 : vector<1024x16xi32>
    %and3A_370 = arith.andi %ne3A_364, %ne3A_369 : vector<1024x16xi1>
    %sub3A_371 = arith.constant 1 : i32
    %sub3A_372 = vector.broadcast %sub3A_371 : i32 to vector<1024x16xi32>
    %sub3A_373 = arith.subi %div3A_346, %sub3A_372 : vector<1024x16xi32>
    %select_n3A_374 = arith.select %and3A_370, %sub3A_373, %div3A_346 : vector<1024x16xi1>, vector<1024x16xi32>
    %eq3A_375 = arith.cmpi eq, %select_n3A_374, %iota3A_343 : vector<1024x16xi32>
    %jit3A_376 = arith.constant 1.000000e+00 : f32
    %jit3A_377 = arith.constant 0.000000e+00 : f32
    %broadcast_in_dim3A_378 = vector.broadcast %jit3A_376 : f32 to vector<1024x16xf32>
    %broadcast_in_dim3A_379 = vector.broadcast %jit3A_377 : f32 to vector<1024x16xf32>
    %select_n3A_380 = arith.select %eq3A_375, %broadcast_in_dim3A_378, %broadcast_in_dim3A_379 : vector<1024x16xi1>, vector<1024x16xf32>
    %convert_element_type3A_381 = arith.truncf %select_n3A_380 : vector<1024x16xf32> to vector<1024x16xbf16>
    %add3A_382 = arith.addf %reshape3A, %add3A_156 : vector<1024x128xf32>
    %convert_element_type3A_383 = arith.truncf %mul3A_302 : vector<16x128xf32> to vector<16x128xbf16>
    %dot_general3A_384 = arith.constant dense<0.000000e+00> : vector<1024x128xf32>
    %dot_general3A_385 = tpu.matmul %convert_element_type3A_381, %convert_element_type3A_383, %dot_general3A_384 {dimension_numbers = #tpu.dot_dimension_numbers<[1], [0], [0], [1], [0, 0, 1, 1], [], []>, transpose_lhs_hint = false} : vector<1024x16xbf16>, vector<16x128xbf16>, vector<1024x128xf32> -> vector<1024x128xf32>
    %add3A_386 = arith.addf %add3A_382, %dot_general3A_385 : vector<1024x128xf32>
    %get3A_387 = arith.constant 0 : index
    %get3A_388 = arith.constant 0 : index
    %get3A_389 = vector.load %arg21[%get3A_387, %get3A_388] : memref<1x128xf32, #tpu.memory_space<vmem>>, vector<1x128xf32>
    %get3A_390 = arith.constant 0 : index
    %get3A_391 = arith.constant 0 : index
    %get3A_392 = vector.load %arg22[%get3A_390, %get3A_391] : memref<1x128xf32, #tpu.memory_space<vmem>>, vector<1x128xf32>
    %reduce_sum3A_393 = arith.constant dense<0.000000e+00> : vector<1024xf32>
    %reduce_sum3A_394 = vector.multi_reduction <add>, %add3A_386, %reduce_sum3A_393 [1] : vector<1024x128xf32> to vector<1024xf32>
    %broadcast_in_dim3A_395 = vector.shape_cast %reduce_sum3A_394 : vector<1024xf32> to vector<1024x1xf32>
    %div3A_396 = arith.constant 1.280000e+02 : f32
    %div3A_397 = vector.broadcast %div3A_396 : f32 to vector<1024x1xf32>
    %div3A_398 = arith.divf %broadcast_in_dim3A_395, %div3A_397 : vector<1024x1xf32>
    %sub3A_399 = vector.broadcast %div3A_398 : vector<1024x1xf32> to vector<1024x128xf32>
    %sub3A_400 = arith.subf %add3A_386, %sub3A_399 : vector<1024x128xf32>
    %integer_pow3A_401 = arith.mulf %sub3A_400, %sub3A_400 : vector<1024x128xf32>
    %reduce_sum3A_402 = arith.constant dense<0.000000e+00> : vector<1024xf32>
    %reduce_sum3A_403 = vector.multi_reduction <add>, %integer_pow3A_401, %reduce_sum3A_402 [1] : vector<1024x128xf32> to vector<1024xf32>
    %broadcast_in_dim3A_404 = vector.shape_cast %reduce_sum3A_403 : vector<1024xf32> to vector<1024x1xf32>
    %div3A_405 = arith.constant 1.280000e+02 : f32
    %div3A_406 = vector.broadcast %div3A_405 : f32 to vector<1024x1xf32>
    %div3A_407 = arith.divf %broadcast_in_dim3A_404, %div3A_406 : vector<1024x1xf32>
    %sub3A_408 = vector.broadcast %div3A_398 : vector<1024x1xf32> to vector<1024x128xf32>
    %sub3A_409 = arith.subf %add3A_386, %sub3A_408 : vector<1024x128xf32>
    %add3A_410 = arith.constant 9.99999974E-6 : f32
    %add3A_411 = vector.broadcast %add3A_410 : f32 to vector<1024x1xf32>
    %add3A_412 = arith.addf %div3A_407, %add3A_411 : vector<1024x1xf32>
    %sqrt3A_413 = math.sqrt %add3A_412 : vector<1024x1xf32>
    %div3A_414 = vector.broadcast %sqrt3A_413 : vector<1024x1xf32> to vector<1024x128xf32>
    %div3A_415 = arith.divf %sub3A_409, %div3A_414 : vector<1024x128xf32>
    %mul3A_416 = vector.broadcast %get3A_389 : vector<1x128xf32> to vector<1024x128xf32>
    %mul3A_417 = arith.mulf %div3A_415, %mul3A_416 : vector<1024x128xf32>
    %add3A_418 = vector.broadcast %get3A_392 : vector<1x128xf32> to vector<1024x128xf32>
    %add3A_419 = arith.addf %mul3A_417, %add3A_418 : vector<1024x128xf32>
    %reshape3A_420 = vector.shape_cast %add3A_419 : vector<1024x128xf32> to vector<16x64x128xf32>
    %swap3A_421 = arith.constant 0 : index
    %swap3A_422 = arith.constant 0 : index
    %swap3A_423 = arith.constant 0 : index
    %swap3A_424 = vector.load %arg24[%swap3A_421, %swap3A_422, %swap3A_423] : memref<16x64x128xf32, #tpu.memory_space<vmem>>, vector<16x64x128xf32>
    tpu.vector_store %arg24[%swap3A_421, %swap3A_422, %swap3A_423], %reshape3A_420 {strides = array<i32>} : memref<16x64x128xf32, #tpu.memory_space<vmem>>, vector<16x64x128xf32>,
    return
  }
  func.func @transform_0(%arg0: i32) -> (i32, i32, i32) {
    %c0_i32 = arith.constant 0 : i32
    %c0_i32_0 = arith.constant 0 : i32
    %c0_i32_1 = arith.constant 0 : i32
    return %arg0, %c0_i32, %c0_i32_0 : i32, i32, i32
  }
  func.func @transform_1(%arg0: i32) -> (i32, i32, i32) {
    %c0_i32 = arith.constant 0 : i32
    %c0_i32_0 = arith.constant 0 : i32
    %c0_i32_1 = arith.constant 0 : i32
    return %arg0, %c0_i32, %c0_i32_0 : i32, i32, i32
  }
  func.func @transform_2(%arg0: i32) -> (i32, i32, i32) {
    %c0_i32 = arith.constant 0 : i32
    %c0_i32_0 = arith.constant 0 : i32
    %c0_i32_1 = arith.constant 0 : i32
    return %arg0, %c0_i32, %c0_i32_0 : i32, i32, i32
  }
  func.func @transform_3(%arg0: i32) -> (i32, i32) {
    %c0_i32 = arith.constant 0 : i32
    %c0_i32_0 = arith.constant 0 : i32
    %c0_i32_1 = arith.constant 0 : i32
    return %c0_i32, %c0_i32_0 : i32, i32
  }
  func.func @transform_4(%arg0: i32) -> (i32, i32) {
    %c0_i32 = arith.constant 0 : i32
    %c0_i32_0 = arith.constant 0 : i32
    %c0_i32_1 = arith.constant 0 : i32
    return %c0_i32, %c0_i32_0 : i32, i32
  }
  func.func @transform_5(%arg0: i32) -> (i32, i32) {
    %c0_i32 = arith.constant 0 : i32
    %c0_i32_0 = arith.constant 0 : i32
    %c0_i32_1 = arith.constant 0 : i32
    return %c0_i32, %c0_i32_0 : i32, i32
  }
  func.func @transform_6(%arg0: i32) -> (i32, i32) {
    %c0_i32 = arith.constant 0 : i32
    %c0_i32_0 = arith.constant 0 : i32
    %c0_i32_1 = arith.constant 0 : i32
    return %c0_i32, %c0_i32_0 : i32, i32
  }
  func.func @transform_7(%arg0: i32) -> (i32, i32) {
    %c0_i32 = arith.constant 0 : i32
    %c0_i32_0 = arith.constant 0 : i32
    %c0_i32_1 = arith.constant 0 : i32
    return %c0_i32, %c0_i32_0 : i32, i32
  }
  func.func @transform_8(%arg0: i32) -> (i32, i32) {
    %c0_i32 = arith.constant 0 : i32
    %c0_i32_0 = arith.constant 0 : i32
    %c0_i32_1 = arith.constant 0 : i32
    return %c0_i32, %c0_i32_0 : i32, i32
  }
  func.func @transform_9(%arg0: i32) -> (i32, i32) {
    %c0_i32 = arith.constant 0 : i32
    %c0_i32_0 = arith.constant 0 : i32
    %c0_i32_1 = arith.constant 0 : i32
    return %c0_i32, %c0_i32_0 : i32, i32
  }
  func.func @transform_10(%arg0: i32) -> (i32, i32) {
    %c0_i32 = arith.constant 0 : i32
    %c0_i32_0 = arith.constant 0 : i32
    %c0_i32_1 = arith.constant 0 : i32
    return %c0_i32, %c0_i32_0 : i32, i32
  }
  func.func @transform_11(%arg0: i32) -> (i32, i32) {
    %c0_i32 = arith.constant 0 : i32
    %c0_i32_0 = arith.constant 0 : i32
    %c0_i32_1 = arith.constant 0 : i32
    return %c0_i32, %c0_i32_0 : i32, i32
  }
  func.func @transform_12(%arg0: i32) -> (i32, i32) {
    %c0_i32 = arith.constant 0 : i32
    %c0_i32_0 = arith.constant 0 : i32
    %c0_i32_1 = arith.constant 0 : i32
    return %c0_i32, %c0_i32_0 : i32, i32
  }
  func.func @transform_13(%arg0: i32) -> (i32, i32) {
    %c0_i32 = arith.constant 0 : i32
    %c0_i32_0 = arith.constant 0 : i32
    %c0_i32_1 = arith.constant 0 : i32
    return %c0_i32, %c0_i32_0 : i32, i32
  }
  func.func @transform_14(%arg0: i32) -> (i32, i32) {
    %c0_i32 = arith.constant 0 : i32
    %c0_i32_0 = arith.constant 0 : i32
    %c0_i32_1 = arith.constant 0 : i32
    return %c0_i32, %c0_i32_0 : i32, i32
  }
  func.func @transform_15(%arg0: i32) -> (i32, i32) {
    %c0_i32 = arith.constant 0 : i32
    %c0_i32_0 = arith.constant 0 : i32
    %c0_i32_1 = arith.constant 0 : i32
    return %c0_i32, %c0_i32_0 : i32, i32
  }
  func.func @transform_16(%arg0: i32) -> (i32, i32) {
    %c0_i32 = arith.constant 0 : i32
    %c0_i32_0 = arith.constant 0 : i32
    %c0_i32_1 = arith.constant 0 : i32
    return %c0_i32, %c0_i32_0 : i32, i32
  }
  func.func @transform_17(%arg0: i32) -> (i32, i32) {
    %c0_i32 = arith.constant 0 : i32
    %c0_i32_0 = arith.constant 0 : i32
    %c0_i32_1 = arith.constant 0 : i32
    return %c0_i32, %c0_i32_0 : i32, i32
  }
  func.func @transform_18(%arg0: i32) -> (i32, i32) {
    %c0_i32 = arith.constant 0 : i32
    %c0_i32_0 = arith.constant 0 : i32
    %c0_i32_1 = arith.constant 0 : i32
    return %c0_i32, %c0_i32_0 : i32, i32
  }
  func.func @transform_19(%arg0: i32) -> (i32, i32) {
    %c0_i32 = arith.constant 0 : i32
    %c0_i32_0 = arith.constant 0 : i32
    %c0_i32_1 = arith.constant 0 : i32
    return %c0_i32, %c0_i32_0 : i32, i32
  }
  func.func @transform_20(%arg0: i32) -> (i32, i32) {
    %c0_i32 = arith.constant 0 : i32
    %c0_i32_0 = arith.constant 0 : i32
    %c0_i32_1 = arith.constant 0 : i32
    return %c0_i32, %c0_i32_0 : i32, i32
  }
  func.func @transform_21(%arg0: i32) -> (i32, i32) {
    %c0_i32 = arith.constant 0 : i32
    %c0_i32_0 = arith.constant 0 : i32
    %c0_i32_1 = arith.constant 0 : i32
    return %c0_i32, %c0_i32_0 : i32, i32
  }
  func.func @transform_22(%arg0: i32) -> (i32, i32, i32) {
    %c0_i32 = arith.constant 0 : i32
    %c0_i32_0 = arith.constant 0 : i32
    %c0_i32_1 = arith.constant 0 : i32
    return %arg0, %c0_i32, %c0_i32_0 : i32, i32, i32
  }
  func.func @transform_23(%arg0: i32) -> (i32, i32, i32) {
    %c0_i32 = arith.constant 0 : i32
    %c0_i32_0 = arith.constant 0 : i32
    %c0_i32_1 = arith.constant 0 : i32
    return %arg0, %c0_i32, %c0_i32_0 : i32, i32, i32
  }
}

module attributes {stable_mosaic.version = 14 : i64} {
  func.func @_a_body(%arg0: i32, %arg1: memref<2000x128xf32, #tpu.memory_space<vmem>>, %arg2: memref<2x2048x128xf32, #tpu.memory_space<vmem>>, %arg3: memref<2x256xi32, #tpu.memory_space<vmem>>, %arg4: memref<128x256xf32, #tpu.memory_space<vmem>>, %arg5: memref<1x256xf32, #tpu.memory_space<vmem>>, %arg6: memref<256x128xf32, #tpu.memory_space<vmem>>, %arg7: memref<1x128xf32, #tpu.memory_space<vmem>>, %arg8: memref<1x1xf32, #tpu.memory_space<vmem>>, %arg9: memref<1x128xf32, #tpu.memory_space<vmem>>, %arg10: memref<1x128xf32, #tpu.memory_space<vmem>>, %arg11: memref<2000x128xf32, #tpu.memory_space<vmem>>, %arg12: memref<1024x1024xf32, #tpu.memory_space<vmem>>) attributes {dimension_semantics = [#tpu.dimension_semantics<arbitrary>], iteration_bounds = array<i64: 1>, scalar_prefetch = 0 : i64, scratch_operands = 0 : i64, tpu.core_type = #tpu.core_type<tc>, window_params = [{pipeline_mode = #tpu.pipeline_mode<synchronous>, transform_indices = @transform_0, window_bounds = array<i64: 2000, 128>}, {pipeline_mode = #tpu.pipeline_mode<synchronous>, transform_indices = @transform_1, window_bounds = array<i64: 2, 2048, 128>}, {pipeline_mode = #tpu.pipeline_mode<synchronous>, transform_indices = @transform_2, window_bounds = array<i64: 2, 256>}, {pipeline_mode = #tpu.pipeline_mode<synchronous>, transform_indices = @transform_3, window_bounds = array<i64: 128, 256>}, {pipeline_mode = #tpu.pipeline_mode<synchronous>, transform_indices = @transform_4, window_bounds = array<i64: 1, 256>}, {pipeline_mode = #tpu.pipeline_mode<synchronous>, transform_indices = @transform_5, window_bounds = array<i64: 256, 128>}, {pipeline_mode = #tpu.pipeline_mode<synchronous>, transform_indices = @transform_6, window_bounds = array<i64: 1, 128>}, {pipeline_mode = #tpu.pipeline_mode<synchronous>, transform_indices = @transform_7, window_bounds = array<i64: 1, 1>}, {pipeline_mode = #tpu.pipeline_mode<synchronous>, transform_indices = @transform_8, window_bounds = array<i64: 1, 128>}, {pipeline_mode = #tpu.pipeline_mode<synchronous>, transform_indices = @transform_9, window_bounds = array<i64: 1, 128>}, {pipeline_mode = #tpu.pipeline_mode<synchronous>, transform_indices = @transform_10, window_bounds = array<i64: 2000, 128>}, {pipeline_mode = #tpu.pipeline_mode<synchronous>, transform_indices = @transform_11, window_bounds = array<i64: 1024, 1024>}]} {
    %get3A = arith.constant 0 : index
    %get3A_0 = arith.constant 0 : index
    %get3A_1 = vector.load %arg1[%get3A, %get3A_0] : memref<2000x128xf32, #tpu.memory_space<vmem>>, vector<2000x128xf32>
    %get3A_2 = arith.constant 0 : index
    %get3A_3 = arith.constant 0 : index
    %get3A_4 = arith.constant 0 : index
    %get3A_5 = vector.load %arg2[%get3A_2, %get3A_3, %get3A_4] : memref<2x2048x128xf32, #tpu.memory_space<vmem>>, vector<1x2000x128xf32>
    %get3A_6 = vector.shape_cast %get3A_5 : vector<1x2000x128xf32> to vector<2000x128xf32>
    %get3A_7 = arith.constant 1 : index
    %get3A_8 = arith.constant 0 : index
    %get3A_9 = arith.constant 0 : index
    %get3A_10 = vector.load %arg2[%get3A_7, %get3A_8, %get3A_9] : memref<2x2048x128xf32, #tpu.memory_space<vmem>>, vector<1x2000x128xf32>
    %get3A_11 = vector.shape_cast %get3A_10 : vector<1x2000x128xf32> to vector<2000x128xf32>
    %add3A = arith.addf %get3A_6, %get3A_11 : vector<2000x128xf32>
    %get3A_12 = arith.constant 0 : index
    %get3A_13 = arith.constant 0 : index
    %get3A_14 = vector.load %arg8[%get3A_12, %get3A_13] : memref<1x1xf32, #tpu.memory_space<vmem>>, vector<1x1xf32>
    %get3A_15 = vector.extract %get3A_14[0, 0] : f32 from vector<1x1xf32>
    %add3A_16 = arith.constant 1.000000e+00 : f32
    %add3A_17 = arith.addf %add3A_16, %get3A_15 : f32
    %mul3A = vector.broadcast %add3A_17 : f32 to vector<2000x128xf32>
    %mul3A_18 = arith.mulf %mul3A, %get3A_1 : vector<2000x128xf32>
    %add3A_19 = arith.addf %mul3A_18, %add3A : vector<2000x128xf32>
    %get3A_20 = arith.constant 0 : index
    %get3A_21 = arith.constant 0 : index
    %get3A_22 = vector.load %arg4[%get3A_20, %get3A_21] : memref<128x256xf32, #tpu.memory_space<vmem>>, vector<128x256xf32>
    %dot_general3A = arith.constant dense<0.000000e+00> : vector<2000x256xf32>
    %dot_general3A_23 = tpu.matmul %add3A_19, %get3A_22, %dot_general3A {dimension_numbers = #tpu.dot_dimension_numbers<[1], [0], [0], [1], [0, 0, 1, 1], [], []>, transpose_lhs_hint = false} : vector<2000x128xf32>, vector<128x256xf32>, vector<2000x256xf32> -> vector<2000x256xf32>
    %get3A_24 = arith.constant 0 : index
    %get3A_25 = arith.constant 0 : index
    %get3A_26 = vector.load %arg5[%get3A_24, %get3A_25] : memref<1x256xf32, #tpu.memory_space<vmem>>, vector<1x256xf32>
    %add3A_27 = vector.broadcast %get3A_26 : vector<1x256xf32> to vector<2000x256xf32>
    %add3A_28 = arith.addf %dot_general3A_23, %add3A_27 : vector<2000x256xf32>
    %mul3A_29 = arith.constant 5.000000e-01 : f32
    %mul3A_30 = vector.broadcast %mul3A_29 : f32 to vector<2000x256xf32>
    %mul3A_31 = arith.mulf %add3A_28, %mul3A_30 : vector<2000x256xf32>
    %mul3A_32 = arith.constant 0.707106769 : f32
    %mul3A_33 = vector.broadcast %mul3A_32 : f32 to vector<2000x256xf32>
    %mul3A_34 = arith.mulf %add3A_28, %mul3A_33 : vector<2000x256xf32>
    %erf3A = math.erf %mul3A_34 : vector<2000x256xf32>
    %add3A_35 = arith.constant 1.000000e+00 : f32
    %add3A_36 = vector.broadcast %add3A_35 : f32 to vector<2000x256xf32>
    %add3A_37 = arith.addf %add3A_36, %erf3A : vector<2000x256xf32>
    %mul3A_38 = arith.mulf %mul3A_31, %add3A_37 : vector<2000x256xf32>
    %get3A_39 = arith.constant 0 : index
    %get3A_40 = arith.constant 0 : index
    %get3A_41 = vector.load %arg6[%get3A_39, %get3A_40] : memref<256x128xf32, #tpu.memory_space<vmem>>, vector<256x128xf32>
    %dot_general3A_42 = arith.constant dense<0.000000e+00> : vector<2000x128xf32>
    %dot_general3A_43 = tpu.matmul %mul3A_38, %get3A_41, %dot_general3A_42 {dimension_numbers = #tpu.dot_dimension_numbers<[1], [0], [0], [1], [0, 0, 1, 1], [], []>, transpose_lhs_hint = false} : vector<2000x256xf32>, vector<256x128xf32>, vector<2000x128xf32> -> vector<2000x128xf32>
    %get3A_44 = arith.constant 0 : index
    %get3A_45 = arith.constant 0 : index
    %get3A_46 = vector.load %arg7[%get3A_44, %get3A_45] : memref<1x128xf32, #tpu.memory_space<vmem>>, vector<1x128xf32>
    %add3A_47 = vector.broadcast %get3A_46 : vector<1x128xf32> to vector<2000x128xf32>
    %add3A_48 = arith.addf %dot_general3A_43, %add3A_47 : vector<2000x128xf32>
    %get3A_49 = arith.constant 0 : index
    %get3A_50 = arith.constant 0 : index
    %get3A_51 = vector.load %arg9[%get3A_49, %get3A_50] : memref<1x128xf32, #tpu.memory_space<vmem>>, vector<1x128xf32>
    %get3A_52 = arith.constant 0 : index
    %get3A_53 = arith.constant 0 : index
    %get3A_54 = vector.load %arg10[%get3A_52, %get3A_53] : memref<1x128xf32, #tpu.memory_space<vmem>>, vector<1x128xf32>
    %reduce_sum3A = arith.constant dense<0.000000e+00> : vector<2000xf32>
    %reduce_sum3A_55 = vector.multi_reduction <add>, %add3A_48, %reduce_sum3A [1] : vector<2000x128xf32> to vector<2000xf32>
    %broadcast_in_dim3A = vector.shape_cast %reduce_sum3A_55 : vector<2000xf32> to vector<2000x1xf32>
    %div3A = arith.constant 1.280000e+02 : f32
    %div3A_56 = vector.broadcast %div3A : f32 to vector<2000x1xf32>
    %div3A_57 = arith.divf %broadcast_in_dim3A, %div3A_56 : vector<2000x1xf32>
    %sub3A = vector.broadcast %div3A_57 : vector<2000x1xf32> to vector<2000x128xf32>
    %sub3A_58 = arith.subf %add3A_48, %sub3A : vector<2000x128xf32>
    %integer_pow3A = arith.mulf %sub3A_58, %sub3A_58 : vector<2000x128xf32>
    %reduce_sum3A_59 = arith.constant dense<0.000000e+00> : vector<2000xf32>
    %reduce_sum3A_60 = vector.multi_reduction <add>, %integer_pow3A, %reduce_sum3A_59 [1] : vector<2000x128xf32> to vector<2000xf32>
    %broadcast_in_dim3A_61 = vector.shape_cast %reduce_sum3A_60 : vector<2000xf32> to vector<2000x1xf32>
    %div3A_62 = arith.constant 1.280000e+02 : f32
    %div3A_63 = vector.broadcast %div3A_62 : f32 to vector<2000x1xf32>
    %div3A_64 = arith.divf %broadcast_in_dim3A_61, %div3A_63 : vector<2000x1xf32>
    %sub3A_65 = vector.broadcast %div3A_57 : vector<2000x1xf32> to vector<2000x128xf32>
    %sub3A_66 = arith.subf %add3A_48, %sub3A_65 : vector<2000x128xf32>
    %add3A_67 = arith.constant 9.99999974E-6 : f32
    %add3A_68 = vector.broadcast %add3A_67 : f32 to vector<2000x1xf32>
    %add3A_69 = arith.addf %div3A_64, %add3A_68 : vector<2000x1xf32>
    %sqrt3A = math.sqrt %add3A_69 : vector<2000x1xf32>
    %div3A_70 = vector.broadcast %sqrt3A : vector<2000x1xf32> to vector<2000x128xf32>
    %div3A_71 = arith.divf %sub3A_66, %div3A_70 : vector<2000x128xf32>
    %mul3A_72 = vector.broadcast %get3A_51 : vector<1x128xf32> to vector<2000x128xf32>
    %mul3A_73 = arith.mulf %div3A_71, %mul3A_72 : vector<2000x128xf32>
    %add3A_74 = vector.broadcast %get3A_54 : vector<1x128xf32> to vector<2000x128xf32>
    %add3A_75 = arith.addf %mul3A_73, %add3A_74 : vector<2000x128xf32>
    %swap3A = arith.constant 0 : index
    %swap3A_76 = arith.constant 0 : index
    %swap3A_77 = vector.load %arg11[%swap3A, %swap3A_76] : memref<2000x128xf32, #tpu.memory_space<vmem>>, vector<2000x128xf32>
    tpu.vector_store %arg11[%swap3A, %swap3A_76], %add3A_75 {strides = array<i32>} : memref<2000x128xf32, #tpu.memory_space<vmem>>, vector<2000x128xf32>,
    %get3A_78 = arith.constant 0 : index
    %get3A_79 = arith.constant 0 : index
    %get3A_80 = vector.load %arg3[%get3A_78, %get3A_79] : memref<2x256xi32, #tpu.memory_space<vmem>>, vector<1x256xi32>
    %get3A_81 = arith.constant 1 : index
    %get3A_82 = arith.constant 0 : index
    %get3A_83 = vector.load %arg3[%get3A_81, %get3A_82] : memref<2x256xi32, #tpu.memory_space<vmem>>, vector<1x256xi32>
    %iota3A = tpu.iota {dimensions = array<i32: 0>} : vector<64x256xi32>
    %eq3A = vector.broadcast %get3A_83 : vector<1x256xi32> to vector<64x256xi32>
    %eq3A_84 = arith.cmpi eq, %iota3A, %eq3A : vector<64x256xi32>
    %convert_element_type3A = arith.extui %eq3A_84 : vector<64x256xi1> to vector<64x256xi32>
    %convert_element_type3A_85 = arith.sitofp %convert_element_type3A : vector<64x256xi32> to vector<64x256xf32>
    %eq3A_86 = vector.broadcast %get3A_80 : vector<1x256xi32> to vector<64x256xi32>
    %eq3A_87 = arith.cmpi eq, %iota3A, %eq3A_86 : vector<64x256xi32>
    %convert_element_type3A_88 = arith.extui %eq3A_87 : vector<64x256xi1> to vector<64x256xi32>
    %convert_element_type3A_89 = arith.sitofp %convert_element_type3A_88 : vector<64x256xi32> to vector<64x256xf32>
    %dot_general3A_90 = arith.constant dense<0.000000e+00> : vector<64x64xf32>
    %dot_general3A_91 = tpu.matmul %convert_element_type3A_85, %convert_element_type3A_89, %dot_general3A_90 {dimension_numbers = #tpu.dot_dimension_numbers<[1], [1], [0], [0], [0, 0, 1, 0], [], []>, transpose_lhs_hint = false} : vector<64x256xf32>, vector<64x256xf32>, vector<64x64xf32> -> vector<64x64xf32>
    %concatenate3A = tpu.concatenate %dot_general3A_91, %dot_general3A_91, %dot_general3A_91, %dot_general3A_91, %dot_general3A_91, %dot_general3A_91, %dot_general3A_91, %dot_general3A_91, %dot_general3A_91, %dot_general3A_91, %dot_general3A_91, %dot_general3A_91, %dot_general3A_91, %dot_general3A_91, %dot_general3A_91, %dot_general3A_91 in 1 : vector<64x64xf32>, vector<64x64xf32>, vector<64x64xf32>, vector<64x64xf32>, vector<64x64xf32>, vector<64x64xf32>, vector<64x64xf32>, vector<64x64xf32>, vector<64x64xf32>, vector<64x64xf32>, vector<64x64xf32>, vector<64x64xf32>, vector<64x64xf32>, vector<64x64xf32>, vector<64x64xf32>, vector<64x64xf32> -> vector<64x1024xf32>
    %concatenate3A_92 = tpu.concatenate %concatenate3A, %concatenate3A, %concatenate3A, %concatenate3A, %concatenate3A, %concatenate3A, %concatenate3A, %concatenate3A, %concatenate3A, %concatenate3A, %concatenate3A, %concatenate3A, %concatenate3A, %concatenate3A, %concatenate3A, %concatenate3A in 0 : vector<64x1024xf32>, vector<64x1024xf32>, vector<64x1024xf32>, vector<64x1024xf32>, vector<64x1024xf32>, vector<64x1024xf32>, vector<64x1024xf32>, vector<64x1024xf32>, vector<64x1024xf32>, vector<64x1024xf32>, vector<64x1024xf32>, vector<64x1024xf32>, vector<64x1024xf32>, vector<64x1024xf32>, vector<64x1024xf32>, vector<64x1024xf32> -> vector<1024x1024xf32>
    %iota3A_93 = tpu.iota {dimensions = array<i32: 0>} : vector<1024x1024xi32>
    %jit3A = arith.constant 64 : i32
    %div3A_94 = vector.broadcast %jit3A : i32 to vector<1024x1024xi32>
    %div3A_95 = arith.divsi %iota3A_93, %div3A_94 : vector<1024x1024xi32>
    %sign3A = arith.constant 0 : i32
    %sign3A_96 = vector.broadcast %sign3A : i32 to vector<1024x1024xi32>
    %sign3A_97 = arith.cmpi sgt, %iota3A_93, %sign3A_96 : vector<1024x1024xi32>
    %sign3A_98 = arith.extui %sign3A_97 : vector<1024x1024xi1> to vector<1024x1024xi32>
    %sign3A_99 = arith.constant 0 : i32
    %sign3A_100 = vector.broadcast %sign3A_99 : i32 to vector<1024x1024xi32>
    %sign3A_101 = arith.cmpi slt, %iota3A_93, %sign3A_100 : vector<1024x1024xi32>
    %sign3A_102 = arith.extui %sign3A_101 : vector<1024x1024xi1> to vector<1024x1024xi32>
    %sign3A_103 = arith.subi %sign3A_98, %sign3A_102 : vector<1024x1024xi32>
    %sign3A_104 = arith.constant 0 : i32
    %sign3A_105 = arith.cmpi sgt, %jit3A, %sign3A_104 : i32
    %sign3A_106 = arith.extui %sign3A_105 : i1 to i32
    %sign3A_107 = arith.constant 0 : i32
    %sign3A_108 = arith.cmpi slt, %jit3A, %sign3A_107 : i32
    %sign3A_109 = arith.extui %sign3A_108 : i1 to i32
    %sign3A_110 = arith.subi %sign3A_106, %sign3A_109 : i32
    %ne3A = vector.broadcast %sign3A_110 : i32 to vector<1024x1024xi32>
    %ne3A_111 = arith.cmpi ne, %sign3A_103, %ne3A : vector<1024x1024xi32>
    %rem3A = vector.broadcast %jit3A : i32 to vector<1024x1024xi32>
    %rem3A_112 = arith.remsi %iota3A_93, %rem3A : vector<1024x1024xi32>
    %ne3A_113 = arith.constant 0 : i32
    %ne3A_114 = vector.broadcast %ne3A_113 : i32 to vector<1024x1024xi32>
    %ne3A_115 = arith.cmpi ne, %rem3A_112, %ne3A_114 : vector<1024x1024xi32>
    %and3A = arith.andi %ne3A_111, %ne3A_115 : vector<1024x1024xi1>
    %sub3A_116 = arith.constant 1 : i32
    %sub3A_117 = vector.broadcast %sub3A_116 : i32 to vector<1024x1024xi32>
    %sub3A_118 = arith.subi %div3A_95, %sub3A_117 : vector<1024x1024xi32>
    %select_n3A = arith.select %and3A, %sub3A_118, %div3A_95 : vector<1024x1024xi1>, vector<1024x1024xi32>
    %iota3A_119 = tpu.iota {dimensions = array<i32: 1>} : vector<1024x1024xi32>
    %jit3A_120 = arith.constant 64 : i32
    %div3A_121 = vector.broadcast %jit3A_120 : i32 to vector<1024x1024xi32>
    %div3A_122 = arith.divsi %iota3A_119, %div3A_121 : vector<1024x1024xi32>
    %sign3A_123 = arith.constant 0 : i32
    %sign3A_124 = vector.broadcast %sign3A_123 : i32 to vector<1024x1024xi32>
    %sign3A_125 = arith.cmpi sgt, %iota3A_119, %sign3A_124 : vector<1024x1024xi32>
    %sign3A_126 = arith.extui %sign3A_125 : vector<1024x1024xi1> to vector<1024x1024xi32>
    %sign3A_127 = arith.constant 0 : i32
    %sign3A_128 = vector.broadcast %sign3A_127 : i32 to vector<1024x1024xi32>
    %sign3A_129 = arith.cmpi slt, %iota3A_119, %sign3A_128 : vector<1024x1024xi32>
    %sign3A_130 = arith.extui %sign3A_129 : vector<1024x1024xi1> to vector<1024x1024xi32>
    %sign3A_131 = arith.subi %sign3A_126, %sign3A_130 : vector<1024x1024xi32>
    %sign3A_132 = arith.constant 0 : i32
    %sign3A_133 = arith.cmpi sgt, %jit3A_120, %sign3A_132 : i32
    %sign3A_134 = arith.extui %sign3A_133 : i1 to i32
    %sign3A_135 = arith.constant 0 : i32
    %sign3A_136 = arith.cmpi slt, %jit3A_120, %sign3A_135 : i32
    %sign3A_137 = arith.extui %sign3A_136 : i1 to i32
    %sign3A_138 = arith.subi %sign3A_134, %sign3A_137 : i32
    %ne3A_139 = vector.broadcast %sign3A_138 : i32 to vector<1024x1024xi32>
    %ne3A_140 = arith.cmpi ne, %sign3A_131, %ne3A_139 : vector<1024x1024xi32>
    %rem3A_141 = vector.broadcast %jit3A_120 : i32 to vector<1024x1024xi32>
    %rem3A_142 = arith.remsi %iota3A_119, %rem3A_141 : vector<1024x1024xi32>
    %ne3A_143 = arith.constant 0 : i32
    %ne3A_144 = vector.broadcast %ne3A_143 : i32 to vector<1024x1024xi32>
    %ne3A_145 = arith.cmpi ne, %rem3A_142, %ne3A_144 : vector<1024x1024xi32>
    %and3A_146 = arith.andi %ne3A_140, %ne3A_145 : vector<1024x1024xi1>
    %sub3A_147 = arith.constant 1 : i32
    %sub3A_148 = vector.broadcast %sub3A_147 : i32 to vector<1024x1024xi32>
    %sub3A_149 = arith.subi %div3A_122, %sub3A_148 : vector<1024x1024xi32>
    %select_n3A_150 = arith.select %and3A_146, %sub3A_149, %div3A_122 : vector<1024x1024xi1>, vector<1024x1024xi32>
    %eq3A_151 = arith.cmpi eq, %select_n3A, %select_n3A_150 : vector<1024x1024xi32>
    %jit3A_152 = arith.constant 0.000000e+00 : f32
    %broadcast_in_dim3A_153 = vector.broadcast %jit3A_152 : f32 to vector<1024x1024xf32>
    %select_n3A_154 = arith.select %eq3A_151, %concatenate3A_92, %broadcast_in_dim3A_153 : vector<1024x1024xi1>, vector<1024x1024xf32>
    %gt3A = arith.constant 0.000000e+00 : f32
    %gt3A_155 = vector.broadcast %gt3A : f32 to vector<1024x1024xf32>
    %gt3A_156 = arith.cmpf ogt, %select_n3A_154, %gt3A_155 : vector<1024x1024xf32>
    %max3A = arith.constant 1.000000e-30 : f32
    %max3A_157 = vector.broadcast %max3A : f32 to vector<1024x1024xf32>
    %max3A_158 = arith.maximumf %select_n3A_154, %max3A_157 : vector<1024x1024xf32>
    %log3A = math.log %max3A_158 : vector<1024x1024xf32>
    %jit3A_159 = arith.constant -1.000000e+30 : f32
    %broadcast_in_dim3A_160 = vector.broadcast %jit3A_159 : f32 to vector<1024x1024xf32>
    %select_n3A_161 = arith.select %gt3A_156, %log3A, %broadcast_in_dim3A_160 : vector<1024x1024xi1>, vector<1024x1024xf32>
    %swap3A_162 = arith.constant 0 : index
    %swap3A_163 = arith.constant 0 : index
    %swap3A_164 = vector.load %arg12[%swap3A_162, %swap3A_163] : memref<1024x1024xf32, #tpu.memory_space<vmem>>, vector<1024x1024xf32>
    tpu.vector_store %arg12[%swap3A_162, %swap3A_163], %select_n3A_161 {strides = array<i32>} : memref<1024x1024xf32, #tpu.memory_space<vmem>>, vector<1024x1024xf32>,
    return
  }
  func.func @transform_0(%arg0: i32) -> (i32, i32) {
    %c0_i32 = arith.constant 0 : i32
    %c0_i32_0 = arith.constant 0 : i32
    %c0_i32_1 = arith.constant 0 : i32
    return %c0_i32, %c0_i32_0 : i32, i32
  }
  func.func @transform_1(%arg0: i32) -> (i32, i32, i32) {
    %c0_i32 = arith.constant 0 : i32
    %c0_i32_0 = arith.constant 0 : i32
    %c0_i32_1 = arith.constant 0 : i32
    %c0_i32_2 = arith.constant 0 : i32
    return %c0_i32, %c0_i32_0, %c0_i32_1 : i32, i32, i32
  }
  func.func @transform_2(%arg0: i32) -> (i32, i32) {
    %c0_i32 = arith.constant 0 : i32
    %c0_i32_0 = arith.constant 0 : i32
    %c0_i32_1 = arith.constant 0 : i32
    return %c0_i32, %c0_i32_0 : i32, i32
  }
  func.func @transform_3(%arg0: i32) -> (i32, i32) {
    %c0_i32 = arith.constant 0 : i32
    %c0_i32_0 = arith.constant 0 : i32
    %c0_i32_1 = arith.constant 0 : i32
    return %c0_i32, %c0_i32_0 : i32, i32
  }
  func.func @transform_4(%arg0: i32) -> (i32, i32) {
    %c0_i32 = arith.constant 0 : i32
    %c0_i32_0 = arith.constant 0 : i32
    %c0_i32_1 = arith.constant 0 : i32
    return %c0_i32, %c0_i32_0 : i32, i32
  }
  func.func @transform_5(%arg0: i32) -> (i32, i32) {
    %c0_i32 = arith.constant 0 : i32
    %c0_i32_0 = arith.constant 0 : i32
    %c0_i32_1 = arith.constant 0 : i32
    return %c0_i32, %c0_i32_0 : i32, i32
  }
  func.func @transform_6(%arg0: i32) -> (i32, i32) {
    %c0_i32 = arith.constant 0 : i32
    %c0_i32_0 = arith.constant 0 : i32
    %c0_i32_1 = arith.constant 0 : i32
    return %c0_i32, %c0_i32_0 : i32, i32
  }
  func.func @transform_7(%arg0: i32) -> (i32, i32) {
    %c0_i32 = arith.constant 0 : i32
    %c0_i32_0 = arith.constant 0 : i32
    %c0_i32_1 = arith.constant 0 : i32
    return %c0_i32, %c0_i32_0 : i32, i32
  }
  func.func @transform_8(%arg0: i32) -> (i32, i32) {
    %c0_i32 = arith.constant 0 : i32
    %c0_i32_0 = arith.constant 0 : i32
    %c0_i32_1 = arith.constant 0 : i32
    return %c0_i32, %c0_i32_0 : i32, i32
  }
  func.func @transform_9(%arg0: i32) -> (i32, i32) {
    %c0_i32 = arith.constant 0 : i32
    %c0_i32_0 = arith.constant 0 : i32
    %c0_i32_1 = arith.constant 0 : i32
    return %c0_i32, %c0_i32_0 : i32, i32
  }
  func.func @transform_10(%arg0: i32) -> (i32, i32) {
    %c0_i32 = arith.constant 0 : i32
    %c0_i32_0 = arith.constant 0 : i32
    %c0_i32_1 = arith.constant 0 : i32
    return %c0_i32, %c0_i32_0 : i32, i32
  }
  func.func @transform_11(%arg0: i32) -> (i32, i32) {
    %c0_i32 = arith.constant 0 : i32
    %c0_i32_0 = arith.constant 0 : i32
    %c0_i32_1 = arith.constant 0 : i32
    return %c0_i32, %c0_i32_0 : i32, i32
  }
}

</mosaic_0001>

<sc_bundles>
// kernel: kernel.5.cloned.1.call-start
scs
__scs_entry_jumppad:
0x0: {  	(pc) =	sbr.rel $0x88, $3  }
0x1: {  	(tag) =	ssettag $0x0;
	lr =	simm.s32 $0x1  }
0x2: {  	[smem:$0x3F7A] =	sst lr;
	_ =	strace $0xD0000000  }
0x3: {  	_ = 	snop  }
0x4: {  	_ = 	snop  }
0x5: {  	_ = 	snop  }
0x6: {  	_ = 	snop  }
0x7: {  	_ = 	snop  }
__scs_overlays_trampoline_lowered:
0x8: {  	[smem:$0x3F89] =	sst s0  }
0x9: {  	[smem:$0x3F8A] =	sst s1  }
0xa: {  	[smem:$0x3F8B] =	sst s2  }
0xb: {  	[smem:$0x3F8C] =	sst s3  }
0xc: {  	[smem:$0x3F8D] =	sst s4  }
0xd: {  	[smem:$0x3F8E] =	sst s5  }
0xe: {  	[smem:$0x3F8F] =	sst s6  }
0xf: {  	[smem:$0x3F90] =	sst s7  }
0x10: {  	[smem:$0x3F91] =	sst s8  }
0x11: {  	[smem:$0x3F92] =	sst s9;
	s0 =	simm.s32 @!p0 $0x0  }
0x12: {  	s1 =	sld [smem:$0x3F78];
	s0 =	simm.s32 @p0 $0x1  }
0x13: {  	[smem:$0x3F93] =	sst s0;
	s0 =	simm.s32 @!p1 $0x0  }
0x14: {  	s2 =	sld [smem:$0x3F77];
	s0 =	simm.s32 @p1 $0x1  }
0x15: {  	[smem:$0x3F94] =	sst s0;
	s0 =	simm.s32 @!p2 $0x0  }
0x16: {  	s3 =	sld [smem:$0x3FDB];
	s0 =	simm.s32 @p2 $0x1  }
0x17: {  	s4 =	simm.s32 $0x1BF5;
	[smem:$0x3F96] =	sst s0  }
0x18: {  	s0 =	sld [smem:$0x3F79];
	_ =	swait.ge [sflag:s4], $0x0  }
0x19: {  	s7 =	sld [smem:$0x3F7A]  }
0x1a: {  	s8 =	sadd.s32 $0xFFFFE003, lr  }
0x1b: {  	s9 =	sadd.s32 $0xFFFFFEF7, lr;
	s5 =	simm.s32 $0xFFFFFFFF;
	p2 =	slt.u32 s8, $0xFFFFF086  }
0x1c: {  	p1 =	slt.u32 s9, $0xF7A;
	s5 =	simm.s32 @!p2 $0x0  }
0x1d: {  	s5 =	simm.s32 @p1 $0x1;
	p0 =	seq.s32 s7, s2  }
0x1e: {  	s7 =	smul.u32 @!p0 $0xF7A, s2;
	p2 =	seq.s32 @!p0 s5, $0x0  }
0x1f: {  	s9 =	smul.u32 $0xF7A, s1;
	s8 =	simm.s32 @!p0 $0x1BF5;
	p2 =	por !p2, p0  }
0x20: {  	[sflag:s8] =	ssyncset.s32 @!p0 $0xFFFFF086;
	s6 =	sadd.s32 @!p0 s3, s7;
	s7 =	simm.s32 @!p0 $0x108  }
0x21: {  	s3 =	sadd.s32 s3, s9;
	s6 =	sadd.s32 @!p0 $0x88, s6;
	s7 =	simm.s32 @p2 $0x1082  }
0x22: {  	[simem:s7], [sflag:s8] =	dma.local @!p0 [hbm:s6], $0xF7A  }
0x23: {  	s9 =	sor.u32 $0xD0000000, s2;
	s6 =	simm.s32 $0x108;
	_ =	swait.ge @!p0 [sflag:s8], $0x0  }
0x24: {  	s3 =	sadd.s32 $0x88, s3;
	s6 =	simm.s32 @!p1 $0x1082;
	[sflag:s4] =	ssyncset.s32 $0xFFFFF086  }
0x25: {  	[simem:s6], [sflag:s4] =	dma.local [hbm:s3], $0xF7A  }
0x26: {  	[smem:$0x3F7A] =	sst s1;
	(tag) =	ssettag s2;
	_ =	strace s9  }
0x27: {  	s1 =	sld [smem:$0x3F8A]  }
0x28: {  	s2 =	sld [smem:$0x3F8B]  }
0x29: {  	s4 =	sld [smem:$0x3F8D]  }
0x2a: {  	p0 =	seq.s32 s5, $0x0;
	s5 =	sld [smem:$0x3F8E]  }
0x2b: {  	s6 =	sld [smem:$0x3F8F]  }
0x2c: {  	s7 =	sld [smem:$0x3F90]  }
0x2d: {  	s3 =	simm.s32 $0x108;
	s8 =	sld [smem:$0x3F91]  }
0x2e: {  	s3 =	simm.s32 @!p0 $0x1082;
	s9 =	sld [smem:$0x3F92]  }
0x2f: {  	lr =	sadd.s32 s0, s3;
	s0 =	sld [smem:$0x3F89]  }
0x30: {  	s3 =	sld [smem:$0x3F8C]  }
0x31: {  	[smem:$0x3F95] =	sst s10  }
0x32: {  	s10 =	sld [smem:$0x3F93];
	_ =	sdelay $0x3  }
0x33: {  	p0 =	seq.s32 s10, $0x1;
	s10 =	sld [smem:$0x3F95];
	_ =	sdelay $0x3  }
0x34: {  	[smem:$0x3F95] =	sst s10  }
0x35: {  	s10 =	sld [smem:$0x3F94];
	_ =	sdelay $0x3  }
0x36: {  	p1 =	seq.s32 s10, $0x1;
	s10 =	sld [smem:$0x3F95];
	_ =	sdelay $0x3  }
0x37: {  	[smem:$0x3F95] =	sst s10  }
0x38: {  	s10 =	sld [smem:$0x3F96]  }
0x39: {  	_ = 	snop;
	(pc) =	sbr.ind lr, $3  }
0x3a: {  	_ = 	snop  }
0x3b: {  	_ = 	snop  }
0x3c: {  	p2 =	seq.s32 s10, $0x1;
	s10 =	sld [smem:$0x3F95]  }
0x3d: {  	_ =	shalt  }
0x3e: {  	_ =	shalt  }
0x3f: {  	_ =	shalt  }
0x40: {  	_ =	shalt  }
0x41: {  	_ =	shalt  }
0x42: {  	_ =	shalt  }
0x43: {  	_ =	shalt  }
0x44: {  	_ =	shalt  }
0x45: {  	_ =	shalt  }
0x46: {  	_ =	shalt  }
0x47: {  	_ =	shalt  }
0x48: {  	_ =	shalt  }
0x49: {  	_ =	shalt  }
0x4a: {  	_ =	shalt  }
0x4b: {  	_ =	shalt  }
0x4c: {  	_ =	shalt  }
0x4d: {  	_ =	shalt  }
0x4e: {  	_ =	shalt  }
0x4f: {  	_ =	shalt  }
0x50: {  	_ =	shalt  }
0x51: {  	_ =	shalt  }
0x52: {  	_ =	shalt  }
0x53: {  	_ =	shalt  }
0x54: {  	_ =	shalt  }
0x55: {  	_ =	shalt  }
0x56: {  	_ =	shalt  }
0x57: {  	_ =	shalt  }
0x58: {  	_ =	shalt  }
0x59: {  	_ =	shalt  }
0x5a: {  	_ =	shalt  }
0x5b: {  	_ =	shalt  }
0x5c: {  	_ =	shalt  }
0x5d: {  	_ =	shalt  }
0x5e: {  	_ =	shalt  }
0x5f: {  	_ =	shalt  }
0x60: {  	_ =	shalt  }
0x61: {  	_ =	shalt  }
0x62: {  	_ =	shalt  }
0x63: {  	_ =	shalt  }
0x64: {  	_ =	shalt  }
0x65: {  	_ =	shalt  }
0x66: {  	_ =	shalt  }
0x67: {  	_ =	shalt  }
0x68: {  	_ =	shalt  }
0x69: {  	_ =	shalt  }
0x6a: {  	_ =	shalt  }
0x6b: {  	_ =	shalt  }
0x6c: {  	_ =	shalt  }
0x6d: {  	_ =	shalt  }
0x6e: {  	_ =	shalt  }
0x6f: {  	_ =	shalt  }
0x70: {  	_ =	shalt  }
0x71: {  	_ =	shalt  }
0x72: {  	_ =	shalt  }
0x73: {  	_ =	shalt  }
0x74: {  	_ =	shalt  }
0x75: {  	_ =	shalt  }
0x76: {  	_ =	shalt  }
0x77: {  	_ =	shalt  }
0x78: {  	_ =	shalt  }
0x79: {  	_ =	shalt  }
0x7a: {  	_ =	shalt  }
0x7b: {  	_ =	shalt  }
0x7c: {  	_ =	shalt  }
0x7d: {  	_ =	shalt  }
0x7e: {  	_ =	shalt  }
0x7f: {  	_ =	shalt  }
0x80: {  	_ =	shalt  }
0x81: {  	_ =	shalt  }
0x82: {  	_ =	shalt  }
0x83: {  	_ =	shalt  }
0x84: {  	_ =	shalt  }
0x85: {  	_ =	shalt  }
0x86: {  	_ =	shalt  }
0x87: {  	_ =	shalt  }
.Lfunc_end0:
.L_simem_size_0:
called_computation_lowered:
.L_overlay_start_0:
0x88: {  	s2 =	sld [smem:$0x3FD9]  }
0x89: {  	s3 =	sld [smem:$0x3FFE];
	_ =	sdelay $0x1  }
0x8a: {  	s1 =	srdreg.scid  }
0x8b: {  	s0 =	sand.u32 $0x1, s1  }
0x8c: {  	s14 =	sshll.u32 s0, $0xA;
	s2 =	sadd.s32 s3, s2  }
0x8d: {  	s2 =	sadd.s32 s2, s14  }
0x8e: {  	[smem:$0x3FA1] =	sst s2  }
0x8f: {  	_ = 	snop  }
0x90: {  	s2 =	sld [smem:$0x3FD0];
	_ =	sdelay $0x2  }
0x91: {  	s4 =	simm.s32 $0xA;
	s5 =	simm.s32 $0x10;
	s15 =	sld [smem:$0x3FC9]  }
0x92: {  	[smem:s5], [sflag:s4] =	dma.local [hbm:s2], $0x1  }
0x93: {  	_ =	swait.eq [sflag:s4], $0x1  }
0x94: {  	[sflag:s4] =	ssyncset.done $0x0  }
0x95: {  	s16 =	sld [smem:$0x10];
	[sflag:s4] =	ssyncadd.s32 $0xFFFFFFFF  }
0x96: {  	s17 =	sld [smem:$0x11];
	(tm) =	ssettm $0x1  }
0x97: {  	s18 =	sld [smem:$0x3FFB];
	_ =	sdelay $0x3  }
0x98: {  	_ =	strace s18  }
0x99: {  	s5 =	sld [smem:$0x3FFC];
	_ =	sdelay $0x3  }
0x9a: {  	_ =	strace s5  }
0x9b: {  	s5 =	sld [smem:$0x3FFD];
	_ =	sdelay $0x3  }
0x9c: {  	_ =	strace s5  }
0x9d: {  	_ =	strace $0x8FFFFFFF  }
0x9e: {  	s19 =	sld [smem:$0x3FDB];
	_ =	sdelay $0x1  }
0x9f: {  	s6 =	simm.s32 $_scs_section_size  }
0xa0: {  	s7 =	simm.s32 $_size__tile_overlayer_lowered;
	s8 =	simm.s32 $_tile_overlayer_lowered  }
0xa1: {  	s22 =	simm.s32 $0x1BFF;
	s21 =	sshll.u32 s8, $0x1;
	s5 =	sadd.s32 s6, s19  }
0xa2: {  	s9 =	simm.s32 $0x0;
	s20 =	sshll.u32 s7, $0x1;
	s7 =	sadd.s32 s21, s5  }
0xa3: {  	[timem:s9], [sflag:s22] =	dma.local [hbm:s7], s20  }
0xa4: {  	_ =	swait.ge [sflag:s22], s20  }
0xa5: {  	s6 =	ssub.s32 $0x0, s20;
	[sflag:s22] =	ssyncset.done $0x0  }
0xa6: {  	[sflag:s22] =	ssyncadd.s32 s6;
	_ =	sdelay $0x1  }
0xa7: {  	s23 =	simm.s32 $0x1B8B  }
0xa8: {  	_ =	swait.ge [sflag:s23], $0x1  }
0xa9: {  	[sflag:s23] =	ssyncset.done $0x0  }
0xaa: {  	s25 =	simm.s32 $0x1B8E;
	s24 =	sld [smem:$0x3FFE];
	[sflag:s23] =	ssyncadd.s32 $0xFFFFFFFF  }
0xab: {  	s26 =	simm.s32 $execute0_lowered;
	[smem:$0x3FD2] =	sst s25  }
0xac: {  	s7 =	sshll.u32 s26, $0x1;
	_ =	strace $0x80000046;
	[dreg:$0x1] =	wrdreg $0xFFFFFFFF  }
0xad: {  	s28 =	simm.s32 $_size_execute0_lowered;
	s5 =	sadd.s32 s5, s7;
	[dreg:$0x0] =	wrdreg $0x0  }
0xae: {  	s7 =	sshll.u32 s28, $0x1;
	[dreg:$0x2] =	wrdreg s5  }
0xaf: {  	[dreg:$0x3] =	wrdreg s7  }
0xb0: {  	[dreg:$0x4] =	wrdreg $0xC0  }
0xb1: {  	_ =	task [dreg:s9], $0x5FFFF  }
0xb2: {  	[dreg:$0x1] =	wrdreg $0xFFFFFFFF  }
0xb3: {  	[dreg:$0x0] =	wrdreg $0x60  }
0xb4: {  	[dreg:$0x2] =	wrdreg s15  }
0xb5: {  	[dreg:$0x3] =	wrdreg s24  }
0xb6: {  	[dreg:$0x4] =	wrdreg s16  }
0xb7: {  	[dreg:$0x5] =	wrdreg s17  }
0xb8: {  	[dreg:$0x6] =	wrdreg $0xB6000  }
0xb9: {  	[dreg:$0x7] =	wrdreg $0x9  }
0xba: {  	_ =	task.clear_ibuf [dreg:s9], $0x8FFFF;
	_ =	strace $0x90000046  }
0xbb: {  	s29 =	simm.s32 $0x9;
	_ =	strace $0x80000048  }
0xbc: {  	_ =	swait.ge [sflag:s29], $0x1  }
0xbd: {  	[sflag:s29] =	ssyncadd.s32 $0xFFFFFFFF  }
0xbe: {  	_ =	strace $0x90000048  }
0xbf: {  	_ =	sfence  }
0xc0: {  	s30 =	sld [smem:$0x0];
	_ =	sdelay $0x2  }
0xc1: {  	s31 =	sshll.u32 s1, $0xD;
	s1 =	sshrl.u32 s1, $0x2  }
0xc2: {  	s3 =	sand.u32 $0x4000, s31;
	s1 =	sadd.s32 s1, s30  }
0xc3: {  	s0 =	sor.u32 s3, s0;
	s1 =	sshll.u32 s1, $0x11  }
0xc4: {  	s0 =	sor.u32 s1, s0  }
0xc5: {  	s0 =	sadd.s32 $0x8F2B, s0  }
0xc6: {  	[sflag:s0] =	ssyncadd.remote.s32 $0x1  }
0xc7: {  	_ =	sfence.sel $0xFFFF  }
0xc8: {  	[dreg:$0x0] =	wrdreg $0xFFFFFFFF;
	(pc) =	sbr.abs _section_cstart, $3  }
0xc9: {  	[dreg:$0x1] =	wrdreg $0xFFFFFFFF  }
0xca: {  	_ =	task.clear_ibuf [dreg:s9], $0x2FFFF;
	_ =	strace $0x9FFFFFFF  }
0xcb: {  	(tm) =	ssettm $0x7FFFFFFF  }
tec
execute0_lowered:
.L_overlay_start_1:
0x0: {  	(tag) =	ssettag $0x1  }
0x1: {  	s1 =	rddreg [dreg:$0x0]  }
0x2: {  	s0 =	rddreg [dreg:$0x1]  }
0x3: {  	s2 =	rddreg [dreg:$0x2]  }
0x4: {  	s6 =	rddreg [dreg:$0x3]  }
0x5: {  	s3 =	rddreg [dreg:$0x4]  }
0x6: {  	s5 =	srdreg.scid;
	s18 =	stileid.u32  }
0x7: {  	s4 =	simm.s32 $0x0;
	s28 =	simm.s32 $0x7500;
	s29 =	simm.s32 $0x80  }
0x8: {  	s30 =	simm.s32 $0x1;
	s31 =	simm.s32 $0x7480;
	s7 =	sand.u32 $0x1, s5  }
0x9: {  	s21 =	sshll.u32 s18, $0x1;
	[smem:$0x7FF] =	sst s4;
	s0 =	sadd.s32 $0x2C00, s0  }
0xa: {  	s10 =	sshll.u32 s18, $0xE;
	s18 =	sshll.u32 s18, $0xB;
	s5 =	sor.u32 s7, s21  }
0xb: {  	_ =	strace $0x80000047;
	s8 =	ssub.s32 $0x2, s7;
	s6 =	sadd.s32 s6, s18  }
0xc: {  	s7 =	sshll.u32 s7, $0xF;
	s9 =	smul.u32 $0x3E8, s5;
	s22 =	sshrl.u32 s8, $0x1  }
0xd: {  	s5 =	sadd.s32 s10, s3;
	s8 =	ssub.s32 s8, s22;
	s22 =	sadd.s32 s7, s6  }
0xe: {  	s6 =	simm.s32 $0x4000;
	s7 =	simm.s32 $0x0;
	s9 =	sshrl.u32 s9, $0x3  }
0xf: {  	s23 =	sadd.s32 s0, s9;
	s24 =	sadd.s32 s2, s9;
	s25 =	sadd.s32 $0x10, s9  }
0x10: {  	s26 =	sadd.s32 $0x20, s9;
	s13 =	sadd.s32 $0x30, s9;
	s15 =	sadd.s32 $0x40, s9  }
0x11: {  	s17 =	sadd.s32 $0x50, s9;
	s19 =	sadd.s32 $0x60, s9;
	[dreg:$0x6] =	wrdreg s23  }
0x12: {  	s9 =	sadd.s32 $0x70, s9;
	[dreg:$0x7] =	wrdreg s24;
	s11 =	sadd.s32 s0, s25  }
0x13: {  	s10 =	sadd.s32 s2, s25;
	s12 =	sadd.s32 s0, s13;
	s13 =	sadd.s32 s2, s13  }
0x14: {  	s14 =	sadd.s32 s0, s15;
	s15 =	sadd.s32 s2, s15;
	s16 =	sadd.s32 s0, s17  }
0x15: {  	s17 =	sadd.s32 s2, s17;
	s18 =	sadd.s32 s0, s19;
	s19 =	sadd.s32 s2, s19  }
0x16: {  	s20 =	sadd.s32 s0, s9;
	s21 =	sadd.s32 s2, s9;
	s23 =	smax.u32 s8, $0x1  }
0x17: {  	s24 =	simm.s32 $0x7600;
	s25 =	simm.s32 $0x2;
	[dreg:$0x8] =	wrdreg s11  }
0x18: {  	[dreg:$0x9] =	wrdreg s10;
	s10 =	sadd.s32 s0, s26;
	s11 =	sadd.s32 s2, s26  }
0x19: {  	v0 =	vimm.f32 $0.0e+00;
	s26 =	simm.s32 $0x7400;
	s0 =	simm.s32 $0x7580;
	s2 =	simm.s32 $0x68  }
.LBB2_1:
0x1a: {  	s8 =	simm.s32 $0x0;
	s9 =	simm.s32 $0x200  }
.LBB2_2:
0x1b: {  	p0 =	sne.s32 s9, $0xFE00;
	[tilespmem:s8+$0x7670] =	vst v0  }
0x1c: {  	[tilespmem:s8+$0x7600] =	vst v0  }
0x1d: {  	[tilespmem:s8+$0x7610] =	vst v0  }
.Ltmp0:
0x1e: {  	[tilespmem:s8+$0x7620] =	vst v0;
	(pc) =	sbr.rel @p0 .LBB2_2-.Ltmp0, $4  }
0x1f: {  	[tilespmem:s8+$0x7630] =	vst v0  }
0x20: {  	[tilespmem:s8+$0x7640] =	vst v0  }
0x21: {  	[tilespmem:s8+$0x7650] =	vst v0  }
0x22: {  	[tilespmem:s8+$0x7660] =	vst v0;
	s8 =	sshra.s32 s9, $0x2;
	s9 =	sadd.s32 $0x200, s9  }
0x23: {  	[tilespmem:s8+$0x7670] =	vst v0  }
0x24: {  	[tilespmem:s8+$0x7600] =	vst v0  }
0x25: {  	[tilespmem:s8+$0x7610] =	vst v0  }
0x26: {  	[tilespmem:s8+$0x7620] =	vst v0  }
0x27: {  	[tilespmem:s8+$0x7630] =	vst v0  }
0x28: {  	[tilespmem:s8+$0x7640] =	vst v0  }
0x29: {  	[tilespmem:s8+$0x7650] =	vst v0  }
0x2a: {  	[tilespmem:s8+$0x7660] =	vst v0  }
0x2b: {  	[spmem:s5] =	stream.linear.scatter [tilespmem:s24], [sflag:$0x2], $0x4000, $0x38;
	[tilespmem:$0xF600] =	vst v63  }
0x2c: {  	_ =	swait.ge [sflag:s25], $0x4000  }
0x2d: {  	[sflag:s25] =	ssyncset.done $0x0  }
0x2e: {  	[sflag:s25] =	ssyncadd.s32 $0xFFFFC000  }
0x2f: {  	[bflag:$0x0] =	sbarrier.arrive $0xFFFF  }
0x30: {  	s9 =	rddreg [dreg:$0x6]  }
0x31: {  	[tilespmem:s26], [sflag:$0x2] =	stream.linear.gather [hbm4b:s9+s4], $0x80, $0x38;
	[tilespmem:$0xF600] =	vst v63  }
0x32: {  	_ =	swait.ge [sflag:s25], $0x80  }
0x33: {  	[sflag:s25] =	ssyncset.done $0x0  }
0x34: {  	s9 =	rddreg [dreg:$0x7];
	[sflag:s25] =	ssyncadd.s32 $0xFFFFFF80  }
0x35: {  	[tilespmem:s28], [sflag:$0x2] =	stream.linear.gather [hbm4b:s9+s4], $0x80, $0x38;
	[tilespmem:$0xF600] =	vst v63  }
0x36: {  	_ =	swait.ge [sflag:s25], $0x80  }
0x37: {  	[sflag:s25] =	ssyncset.done $0x0  }
0x38: {  	[sflag:s25] =	ssyncadd.s32 $0xFFFFFF80  }
0x39: {  	[tilespmem:s4], [sflag:$0x1] =	stream.indirect.gather [hbm4b:s1+s29], $0x80, s26, s29, $0xb8;
	[tilespmem:$0xF600] =	vst v63  }
0x3a: {  	_ =	swait.ge [sflag:s30], $0x4000  }
0x3b: {  	[sflag:s30] =	ssyncset.done $0x0  }
0x3c: {  	[sflag:s30] =	ssyncadd.s32 $0xFFFFC000  }
0x3d: {  	[spmem:s3] =	stream.indirect.scatter.add.f32 [tilespmem:s4], [sflag:$0x2], $0x80, s28, s29, $0xb8;
	[tilespmem:$0xF600] =	vst v63  }
0x3e: {  	_ =	swait.ge [sflag:s25], $0x4000  }
0x3f: {  	[sflag:s25] =	ssyncset.done $0x0  }
0x40: {  	s9 =	rddreg [dreg:$0x8];
	[sflag:s25] =	ssyncadd.s32 $0xFFFFC000  }
0x41: {  	[tilespmem:s26], [sflag:$0x2] =	stream.linear.gather [hbm4b:s9+s4], $0x80, $0x38;
	[tilespmem:$0xF600] =	vst v63  }
0x42: {  	_ =	swait.ge [sflag:s25], $0x80  }
0x43: {  	[sflag:s25] =	ssyncset.done $0x0  }
0x44: {  	s9 =	rddreg [dreg:$0x9];
	[sflag:s25] =	ssyncadd.s32 $0xFFFFFF80  }
0x45: {  	[tilespmem:s28], [sflag:$0x2] =	stream.linear.gather [hbm4b:s9+s4], $0x80, $0x38;
	[tilespmem:$0xF600] =	vst v63  }
0x46: {  	_ =	swait.ge [sflag:s25], $0x80  }
0x47: {  	[sflag:s25] =	ssyncset.done $0x0  }
0x48: {  	[sflag:s25] =	ssyncadd.s32 $0xFFFFFF80  }
0x49: {  	[tilespmem:s4], [sflag:$0x1] =	stream.indirect.gather [hbm4b:s1+s29], $0x80, s26, s29, $0xb8;
	[tilespmem:$0xF600] =	vst v63  }
0x4a: {  	_ =	swait.ge [sflag:s30], $0x4000  }
0x4b: {  	[sflag:s30] =	ssyncset.done $0x0  }
0x4c: {  	[sflag:s30] =	ssyncadd.s32 $0xFFFFC000  }
0x4d: {  	[spmem:s3] =	stream.indirect.scatter.add.f32 [tilespmem:s4], [sflag:$0x2], $0x80, s28, s29, $0xb8;
	[tilespmem:$0xF600] =	vst v63  }
0x4e: {  	_ =	swait.ge [sflag:s25], $0x4000  }
0x4f: {  	[sflag:s25] =	ssyncset.done $0x0  }
0x50: {  	[sflag:s25] =	ssyncadd.s32 $0xFFFFC000  }
0x51: {  	[tilespmem:s26], [sflag:$0x2] =	stream.linear.gather [hbm4b:s10+s4], $0x80, $0x38;
	[tilespmem:$0xF600] =	vst v63  }
0x52: {  	_ =	swait.ge [sflag:s25], $0x80  }
0x53: {  	[sflag:s25] =	ssyncset.done $0x0  }
0x54: {  	[sflag:s25] =	ssyncadd.s32 $0xFFFFFF80  }
0x55: {  	[tilespmem:s28], [sflag:$0x2] =	stream.linear.gather [hbm4b:s11+s4], $0x80, $0x38;
	[tilespmem:$0xF600] =	vst v63  }
0x56: {  	_ =	swait.ge [sflag:s25], $0x80  }
0x57: {  	[sflag:s25] =	ssyncset.done $0x0  }
0x58: {  	[sflag:s25] =	ssyncadd.s32 $0xFFFFFF80  }
0x59: {  	[tilespmem:s4], [sflag:$0x1] =	stream.indirect.gather [hbm4b:s1+s29], $0x80, s26, s29, $0xb8;
	[tilespmem:$0xF600] =	vst v63  }
0x5a: {  	_ =	swait.ge [sflag:s30], $0x4000  }
0x5b: {  	[sflag:s30] =	ssyncset.done $0x0  }
0x5c: {  	[sflag:s30] =	ssyncadd.s32 $0xFFFFC000  }
0x5d: {  	[spmem:s3] =	stream.indirect.scatter.add.f32 [tilespmem:s4], [sflag:$0x2], $0x80, s28, s29, $0xb8;
	[tilespmem:$0xF600] =	vst v63  }
0x5e: {  	_ =	swait.ge [sflag:s25], $0x4000  }
0x5f: {  	[sflag:s25] =	ssyncset.done $0x0  }
0x60: {  	[sflag:s25] =	ssyncadd.s32 $0xFFFFC000  }
0x61: {  	[tilespmem:s26], [sflag:$0x2] =	stream.linear.gather [hbm4b:s12+s4], $0x80, $0x38;
	[tilespmem:$0xF600] =	vst v63  }
0x62: {  	_ =	swait.ge [sflag:s25], $0x80  }
0x63: {  	[sflag:s25] =	ssyncset.done $0x0  }
0x64: {  	[sflag:s25] =	ssyncadd.s32 $0xFFFFFF80  }
0x65: {  	[tilespmem:s28], [sflag:$0x2] =	stream.linear.gather [hbm4b:s13+s4], $0x80, $0x38;
	[tilespmem:$0xF600] =	vst v63  }
0x66: {  	_ =	swait.ge [sflag:s25], $0x80  }
0x67: {  	[sflag:s25] =	ssyncset.done $0x0  }
0x68: {  	[sflag:s25] =	ssyncadd.s32 $0xFFFFFF80  }
0x69: {  	[tilespmem:s4], [sflag:$0x1] =	stream.indirect.gather [hbm4b:s1+s29], $0x80, s26, s29, $0xb8;
	[tilespmem:$0xF600] =	vst v63  }
0x6a: {  	_ =	swait.ge [sflag:s30], $0x4000  }
0x6b: {  	[sflag:s30] =	ssyncset.done $0x0  }
0x6c: {  	[sflag:s30] =	ssyncadd.s32 $0xFFFFC000  }
0x6d: {  	[spmem:s3] =	stream.indirect.scatter.add.f32 [tilespmem:s4], [sflag:$0x2], $0x80, s28, s29, $0xb8;
	[tilespmem:$0xF600] =	vst v63  }
0x6e: {  	_ =	swait.ge [sflag:s25], $0x4000  }
0x6f: {  	[sflag:s25] =	ssyncset.done $0x0  }
0x70: {  	[sflag:s25] =	ssyncadd.s32 $0xFFFFC000  }
0x71: {  	[tilespmem:s26], [sflag:$0x2] =	stream.linear.gather [hbm4b:s14+s4], $0x80, $0x38;
	[tilespmem:$0xF600] =	vst v63  }
0x72: {  	_ =	swait.ge [sflag:s25], $0x80  }
0x73: {  	[sflag:s25] =	ssyncset.done $0x0  }
0x74: {  	[sflag:s25] =	ssyncadd.s32 $0xFFFFFF80  }
0x75: {  	[tilespmem:s28], [sflag:$0x2] =	stream.linear.gather [hbm4b:s15+s4], $0x80, $0x38;
	[tilespmem:$0xF600] =	vst v63  }
0x76: {  	_ =	swait.ge [sflag:s25], $0x80  }
0x77: {  	[sflag:s25] =	ssyncset.done $0x0  }
0x78: {  	[sflag:s25] =	ssyncadd.s32 $0xFFFFFF80  }
0x79: {  	[tilespmem:s4], [sflag:$0x1] =	stream.indirect.gather [hbm4b:s1+s29], $0x80, s26, s29, $0xb8;
	[tilespmem:$0xF600] =	vst v63  }
0x7a: {  	_ =	swait.ge [sflag:s30], $0x4000  }
0x7b: {  	[sflag:s30] =	ssyncset.done $0x0  }
0x7c: {  	[sflag:s30] =	ssyncadd.s32 $0xFFFFC000  }
0x7d: {  	[spmem:s3] =	stream.indirect.scatter.add.f32 [tilespmem:s4], [sflag:$0x2], $0x80, s28, s29, $0xb8;
	[tilespmem:$0xF600] =	vst v63  }
0x7e: {  	_ =	swait.ge [sflag:s25], $0x4000  }
0x7f: {  	[sflag:s25] =	ssyncset.done $0x0  }
0x80: {  	[sflag:s25] =	ssyncadd.s32 $0xFFFFC000  }
0x81: {  	[tilespmem:s26], [sflag:$0x2] =	stream.linear.gather [hbm4b:s16+s4], $0x80, $0x38;
	[tilespmem:$0xF600] =	vst v63  }
0x82: {  	_ =	swait.ge [sflag:s25], $0x80  }
0x83: {  	[sflag:s25] =	ssyncset.done $0x0  }
0x84: {  	[sflag:s25] =	ssyncadd.s32 $0xFFFFFF80  }
0x85: {  	[tilespmem:s28], [sflag:$0x2] =	stream.linear.gather [hbm4b:s17+s4], $0x80, $0x38;
	[tilespmem:$0xF600] =	vst v63  }
0x86: {  	_ =	swait.ge [sflag:s25], $0x80  }
0x87: {  	[sflag:s25] =	ssyncset.done $0x0  }
0x88: {  	[sflag:s25] =	ssyncadd.s32 $0xFFFFFF80  }
0x89: {  	[tilespmem:s4], [sflag:$0x1] =	stream.indirect.gather [hbm4b:s1+s29], $0x80, s26, s29, $0xb8;
	[tilespmem:$0xF600] =	vst v63  }
0x8a: {  	_ =	swait.ge [sflag:s30], $0x4000  }
0x8b: {  	[sflag:s30] =	ssyncset.done $0x0  }
0x8c: {  	[sflag:s30] =	ssyncadd.s32 $0xFFFFC000  }
0x8d: {  	[spmem:s3] =	stream.indirect.scatter.add.f32 [tilespmem:s4], [sflag:$0x2], $0x80, s28, s29, $0xb8;
	[tilespmem:$0xF600] =	vst v63  }
0x8e: {  	_ =	swait.ge [sflag:s25], $0x4000  }
0x8f: {  	[sflag:s25] =	ssyncset.done $0x0  }
0x90: {  	[sflag:s25] =	ssyncadd.s32 $0xFFFFC000  }
0x91: {  	[tilespmem:s26], [sflag:$0x2] =	stream.linear.gather [hbm4b:s18+s4], $0x80, $0x38;
	[tilespmem:$0xF600] =	vst v63  }
0x92: {  	_ =	swait.ge [sflag:s25], $0x80  }
0x93: {  	[sflag:s25] =	ssyncset.done $0x0  }
0x94: {  	[sflag:s25] =	ssyncadd.s32 $0xFFFFFF80  }
0x95: {  	[tilespmem:s28], [sflag:$0x2] =	stream.linear.gather [hbm4b:s19+s4], $0x80, $0x38;
	[tilespmem:$0xF600] =	vst v63  }
0x96: {  	_ =	swait.ge [sflag:s25], $0x80  }
0x97: {  	[sflag:s25] =	ssyncset.done $0x0  }
0x98: {  	[sflag:s25] =	ssyncadd.s32 $0xFFFFFF80  }
0x99: {  	[tilespmem:s4], [sflag:$0x1] =	stream.indirect.gather [hbm4b:s1+s29], $0x80, s26, s29, $0xb8;
	[tilespmem:$0xF600] =	vst v63  }
0x9a: {  	_ =	swait.ge [sflag:s30], $0x4000  }
0x9b: {  	[sflag:s30] =	ssyncset.done $0x0  }
0x9c: {  	[sflag:s30] =	ssyncadd.s32 $0xFFFFC000  }
0x9d: {  	[spmem:s3] =	stream.indirect.scatter.add.f32 [tilespmem:s4], [sflag:$0x2], $0x80, s28, s29, $0xb8;
	[tilespmem:$0xF600] =	vst v63  }
0x9e: {  	_ =	swait.ge [sflag:s25], $0x4000  }
0x9f: {  	[sflag:s25] =	ssyncset.done $0x0  }
0xa0: {  	[sflag:s25] =	ssyncadd.s32 $0xFFFFC000  }
0xa1: {  	[tilespmem:s31], [sflag:$0x2] =	stream.linear.gather [hbm4b:s20+s4], $0x68, $0x38;
	[tilespmem:$0xF600] =	vst v63  }
0xa2: {  	_ =	swait.ge [sflag:s25], $0x68  }
0xa3: {  	[sflag:s25] =	ssyncset.done $0x0  }
0xa4: {  	[sflag:s25] =	ssyncadd.s32 $0xFFFFFF98  }
0xa5: {  	[tilespmem:s0], [sflag:$0x2] =	stream.linear.gather [hbm4b:s21+s4], $0x68, $0x38;
	[tilespmem:$0xF600] =	vst v63  }
0xa6: {  	_ =	swait.ge [sflag:s25], $0x68  }
0xa7: {  	[sflag:s25] =	ssyncset.done $0x0  }
0xa8: {  	[sflag:s25] =	ssyncadd.s32 $0xFFFFFF98  }
0xa9: {  	[tilespmem:s6], [sflag:$0x1] =	stream.indirect.gather [hbm4b:s1+s2], $0x80, s31, s2, $0xb8;
	[tilespmem:$0xF600] =	vst v63  }
0xaa: {  	_ =	swait.ge [sflag:s30], $0x3400  }
0xab: {  	[sflag:s30] =	ssyncset.done $0x0  }
0xac: {  	[sflag:s30] =	ssyncadd.s32 $0xFFFFCC00  }
0xad: {  	[spmem:s3] =	stream.indirect.scatter.add.f32 [tilespmem:s6], [sflag:$0x2], $0x80, s0, s2, $0xb8;
	[tilespmem:$0xF600] =	vst v63  }
0xae: {  	_ =	swait.ge [sflag:s25], $0x3400  }
0xaf: {  	[sflag:s25] =	ssyncset.done $0x0  }
0xb0: {  	[sflag:s25] =	ssyncadd.s32 $0xFFFFCC00  }
0xb1: {  	[bflag:$0x0] =	sbarrier.arrive $0xFFFF  }
0xb2: {  	[tilespmem:s24], [sflag:$0x2] =	stream.linear.gather [spmem:s5], $0x4000, $0x38;
	[tilespmem:$0xF600] =	vst v63  }
0xb3: {  	s7 =	sadd.s32 $0x1, s7;
	_ =	swait.ge [sflag:s25], $0x4000  }
0xb4: {  	p0 =	sne.s32 s7, s23;
	[sflag:s25] =	ssyncset.done $0x0  }
.Ltmp1:
0xb5: {  	[sflag:s25] =	ssyncadd.s32 $0xFFFFC000;
	(pc) =	sbr.rel @p0 .LBB2_1-.Ltmp1, $4  }
0xb6: {  	[hbm4b:s22+s4] =	stream.linear.scatter [tilespmem:s24], [sflag:$0x2], $0x4000, $0x38;
	[tilespmem:$0xF600] =	vst v63  }
0xb7: {  	_ =	swait.ge [sflag:s25], $0x4000  }
0xb8: {  	[sflag:s25] =	ssyncset.done $0x0  }
0xb9: {  	[sflag:s25] =	ssyncadd.s32 $0xFFFFC000  }
0xba: {  	_ =	sfence.sel $0x180000  }
0xbb: {  	[bflag:$0x0] =	sbarrier.arrive $0xFFFF  }
0xbc: {  	_ =	strace $0x90000047  }
0xbd: {  	s0 =	stileid.u32;
	[bflag:$0x2] =	sbarrier.arrive $0xFFFF  }
0xbe: {  	p0 =	sne.s32 s0, $0x0;
	s0 =	rddreg [dreg:$0x5]  }
0xbf: {  	s0 =	sadd.s32 @!p0 $0x100000, s0  }
0xc0: {  	[sflag:s0] =	ssyncadd.tile.s32 @!p0 $0x1;
	_ =	shalt  }
.Lfunc_end2:
_tile_overlayer_lowered:
.L_overlay_start_2:
0xc1: {  	(tag) =	ssettag $0x2  }
0xc2: {  	s0 =	rddreg [dreg:$0x0];
	s2 =	stileid.u32  }
0xc3: {  	s1 =	rddreg [dreg:$0x1];
	p0 =	sne.s32 s2, $0x0  }
0xc4: {  	s3 =	rddreg [dreg:$0x2];
	[bflag:$0x3] =	sbarrier.arrive $0xFFFF;
	s2 =	simm.s32 @!p0 $0x1C02  }
0xc5: {  	[timem:s3], [sflag:s2] =	dma.local @!p0 [hbm:s0], s1  }
0xc6: {  	s0 =	simm.s32 @!p0 $0x2  }
0xc7: {  	_ =	swait.ge @!p0 [sflag:s0], s1  }
0xc8: {  	s1 =	ssub.s32 @!p0 $0x0, s1;
	[sflag:s0] =	ssyncset.done @!p0 $0x0  }
0xc9: {  	[sflag:s0] =	ssyncadd.s32 @!p0 s1  }
0xca: {  	[bflag:$0x3] =	sbarrier.arrive $0xFFFF  }
0xcb: {  	_ =	shalt  }

</sc_bundles>
